<compile_context>
chip_gen: v7x
topology: tpu7x:2x2x1
jax: 0.10.2.dev20260603
libtpu: 0.0.44.dev20260713+nightly
codegen_flags: <defaults>
</compile_context>

<pallas_src>
import functools

import jax
import jax.numpy as jnp
from jax import lax
from jax.experimental import pallas as pl
from jax.experimental.pallas import tpu as pltpu
from jax.experimental.pallas import tpu_sc as plsc

B = 4096
K = 5
D = 128
NC = 2
NS = 16
NW = NC * NS
CPW = B // NW
SPW = CPW * (K + 1)
NCHUNK = D // 16


def _sc_body(in_idx_hbm, pos_idx_hbm, neg_idx_hbm, in_tab_hbm, ctx_tab_hbm,
             out_hbm, in_idx_v, pos_idx_v, neg_idx_v, in_rows_v, pos_rows_v,
             neg_rows_v, scores_v, sem):
    wid = lax.axis_index("s") * NC + lax.axis_index("c")
    base = wid * CPW

    pltpu.sync_copy(in_idx_hbm.at[pl.ds(base, CPW)], in_idx_v)
    pltpu.sync_copy(pos_idx_hbm.at[pl.ds(base, CPW)], pos_idx_v)
    for k in range(K):
        pltpu.sync_copy(neg_idx_hbm.at[pl.ds(k * B + base, CPW)],
                        neg_idx_v.at[k])

    copies = [
        pltpu.async_copy(in_tab_hbm.at[in_idx_v], in_rows_v, sem),
        pltpu.async_copy(ctx_tab_hbm.at[pos_idx_v], pos_rows_v, sem),
    ]
    for k in range(K):
        copies.append(
            pltpu.async_copy(ctx_tab_hbm.at[neg_idx_v.at[k]],
                             neg_rows_v.at[k], sem))
    for c in copies:
        c.wait()

    lanes = lax.iota(jnp.int32, 16)
    zero = jnp.zeros((16,), jnp.float32)

    def group(g, carry):
        def lane(j, vecs):
            i = g * 16 + j
            a = [in_rows_v[i, pl.ds(d * 16, 16)] for d in range(NCHUNK)]
            acc = a[0] * pos_rows_v[i, pl.ds(0, 16)]
            for d in range(1, NCHUNK):
                acc = acc + a[d] * pos_rows_v[i, pl.ds(d * 16, 16)]
            out = [jnp.where(lanes == j, jnp.sum(acc), vecs[0])]
            for k in range(K):
                acc = a[0] * neg_rows_v[k, i, pl.ds(0, 16)]
                for d in range(1, NCHUNK):
                    acc = acc + a[d] * neg_rows_v[k, i, pl.ds(d * 16, 16)]
                out.append(
                    jnp.where(lanes == j, -jnp.sum(acc), vecs[k + 1]))
            return tuple(out)

        vecs = lax.fori_loop(0, 16, lane, (zero,) * (K + 1))
        for s in range(K + 1):
            scores_v[pl.ds(s * CPW + g * 16, 16)] = vecs[s]
        return carry

    lax.fori_loop(0, CPW // 16, group, 0)
    pltpu.sync_copy(scores_v, out_hbm.at[pl.ds(wid * SPW, SPW)])


_sc_scores = functools.partial(
    pl.kernel,
    mesh=plsc.VectorSubcoreMesh(core_axis_name="c", subcore_axis_name="s"),
    compiler_params=pltpu.CompilerParams(needs_layout_passes=False),
    out_type=jax.ShapeDtypeStruct((B * (K + 1),), jnp.float32),
    scratch_types=[
        pltpu.VMEM((CPW,), jnp.int32),
        pltpu.VMEM((CPW,), jnp.int32),
        pltpu.VMEM((K, CPW), jnp.int32),
        pltpu.VMEM((CPW, D), jnp.float32),
        pltpu.VMEM((CPW, D), jnp.float32),
        pltpu.VMEM((K, CPW, D), jnp.float32),
        pltpu.VMEM((SPW,), jnp.float32),
        pltpu.SemaphoreType.DMA,
    ],
)(_sc_body)


def _tc_loss_body(x_ref, o_ref):
    x = x_ref[...]
    z = -x
    sp = jnp.maximum(z, 0.0) + jnp.log(1.0 + jnp.exp(-jnp.abs(z)))
    o_ref[0, 0] = jnp.sum(sp) / (B * (K + 1))


_tc_loss = pl.pallas_call(
    _tc_loss_body,
    out_shape=jax.ShapeDtypeStruct((1, 1), jnp.float32),
    out_specs=pl.BlockSpec(memory_space=pltpu.SMEM),
)


@jax.jit
def kernel(input, pos_con, neg_con, input_table, context_table):
    in_idx = input.reshape(-1).astype(jnp.int32)
    pos_idx = pos_con.reshape(-1).astype(jnp.int32)
    neg_idx = neg_con.reshape(-1).astype(jnp.int32)
    scores = _sc_scores(in_idx, pos_idx, neg_idx, input_table, context_table)
    loss = _tc_loss(scores.reshape(B * (K + 1) // D, D))
    return loss.reshape(())

# --- scband reference (transcript-rebuilt; emitter-appended) ---
"""Pipeline reference for scband-word2-vec-nsloss-936302870889 (READ-ONLY COPY).

The authoritative reference and input builder live on the scoring server;
editing this copy changes nothing except your own understanding.
"""

import jax, jax.numpy as jnp
import numpy as np

B = 4096
K = 5
V = 100000
D = 128

def setup_inputs(seed: int = 0) -> dict:
    key = jax.random.key(seed)
    k1, k2, k3, k4, k5 = jax.random.split(key, 5)
    inp = jax.random.randint(k1, (B, 1), 0, V, dtype=jnp.int64) if jax.config.jax_enable_x64 else jax.random.randint(k1, (B, 1), 0, V, dtype=jnp.int32)
    pos_con = jax.random.randint(k2, (B, 1), 0, V, dtype=inp.dtype)
    neg_con = jax.random.randint(k3, (B * K, 1), 0, V, dtype=inp.dtype)
    input_table = jax.random.normal(k4, (V, D), dtype=jnp.float32) * 0.02
    context_table = jax.random.normal(k5, (V, D), dtype=jnp.float32) * 0.02
    return {"input": inp, "pos_con": pos_con, "neg_con": neg_con,
            "input_table": input_table, "context_table": context_table}

def reference(input, pos_con, neg_con, input_table, context_table):
    # nn.EmbeddingBag with bag size 1 and default mode='mean' reduces to a plain row gather
    Kfac = neg_con.shape[0] // input.shape[0]
    embedded = jnp.take(input_table, input[:, 0], axis=0)            # [B, D]
    embedded_exp = jnp.concatenate([embedded] * Kfac, axis=0)        # [B*K, D]
    pos_embedded = jnp.take(context_table, pos_con[:, 0], axis=0)    # [B, D]
    neg_embedded = jnp.take(context_table, neg_con[:, 0], axis=0)    # [B*K, D]
    pos_score = jnp.sum(pos_embedded * embedded, axis=1, keepdims=True)      # [B, 1]
    neg_score = jnp.sum(neg_embedded * embedded_exp, axis=1, keepdims=True)  # [B*K, 1]
    combine = jnp.concatenate([pos_score, -neg_score], axis=0)               # [B*(K+1), 1]
    return -jnp.mean(jnp.log(jax.nn.sigmoid(combine)))

if __name__ == "__main__":
    import jax
    _d = setup_inputs()
    print(jax.jit(kernel)(*tuple(_d.values())))

</pallas_src>

<mosaic_0001>
#map = affine_map<(d0, d1) -> (0)>
#map1 = affine_map<(d0, d1) -> (0, 0)>
module attributes {stable_mosaic.version = 14 : i64} {
  func.func @_sc_body(%arg0: i32, %arg1: i32, %arg2: memref<4096xi32, #tpu.memory_space<hbm>>, %arg3: memref<4096xi32, #tpu.memory_space<hbm>>, %arg4: memref<20480xi32, #tpu.memory_space<hbm>>, %arg5: memref<100000x128xf32, #tpu.memory_space<hbm>>, %arg6: memref<100000x128xf32, #tpu.memory_space<hbm>>, %arg7: memref<24576xf32, #tpu.memory_space<hbm>>, %arg8: memref<128xi32, #tpu.memory_space<vmem>>, %arg9: memref<128xi32, #tpu.memory_space<vmem>>, %arg10: memref<5x128xi32, #tpu.memory_space<vmem>>, %arg11: memref<128x128xf32, #tpu.memory_space<vmem>>, %arg12: memref<128x128xf32, #tpu.memory_space<vmem>>, %arg13: memref<5x128x128xf32, #tpu.memory_space<vmem>>, %arg14: memref<768xf32, #tpu.memory_space<vmem>>, %arg15: memref<!tpu.dma_semaphore, #tpu.memory_space<semaphore_mem>>) attributes {dimension_semantics = [#tpu.dimension_semantics<core_parallel>, #tpu.dimension_semantics<subcore_parallel>], iteration_bounds = array<i64: 2, 16>, scalar_prefetch = 0 : i64, scratch_operands = 8 : i64, tpu.core_type = #tpu.core_type<sc_vector_subcore>, window_params = [{transform_indices = #map}, {transform_indices = #map}, {transform_indices = #map}, {transform_indices = #map1}, {transform_indices = #map1}, {transform_indices = #map}]} {
    %mul3A = arith.constant 2 : i32
    %mul3A_0 = arith.muli %arg1, %mul3A : i32
    %add3A = arith.addi %mul3A_0, %arg0 : i32
    %mul3A_1 = arith.constant 128 : i32
    %mul3A_2 = arith.muli %add3A, %mul3A_1 : i32
    "tpu.region"() ({
      %run_scoped3A_155 = tpu.sem_alloc : memref<!tpu.dma_semaphore, #tpu.memory_space<semaphore_mem>>
      %dma_start3A_156 = tpu.memref_slice %arg2[%mul3A_2] : memref<4096xi32, #tpu.memory_space<hbm>> -> memref<128xi32, #tpu.memory_space<hbm>>
      %dma_start3A_157 = tpu.memref_slice %arg2[%mul3A_2] : memref<4096xi32, #tpu.memory_space<hbm>> -> memref<128xi32, #tpu.memory_space<hbm>>
      tpu.enqueue_dma source(%dma_start3A_157 : memref<128xi32, #tpu.memory_space<hbm>>) target(%arg8 : memref<128xi32, #tpu.memory_space<vmem>>) target_semaphore(%run_scoped3A_155 : memref<!tpu.dma_semaphore, #tpu.memory_space<semaphore_mem>>)
      %dma_wait3A_158 = tpu.memref_slice %arg2[%mul3A_2] : memref<4096xi32, #tpu.memory_space<hbm>> -> memref<128xi32, #tpu.memory_space<hbm>>
      %dma_wait3A_159 = tpu.memref_slice %arg2[%mul3A_2] : memref<4096xi32, #tpu.memory_space<hbm>> -> memref<128xi32, #tpu.memory_space<hbm>>
      tpu.wait_dma2 semaphore(%run_scoped3A_155 : memref<!tpu.dma_semaphore, #tpu.memory_space<semaphore_mem>>) src(%dma_wait3A_159 : memref<128xi32, #tpu.memory_space<hbm>>) dst(%arg8 : memref<128xi32, #tpu.memory_space<vmem>>)
      tpu.yield
    }) : () -> ()
    "tpu.region"() ({
      %run_scoped3A_155 = tpu.sem_alloc : memref<!tpu.dma_semaphore, #tpu.memory_space<semaphore_mem>>
      %dma_start3A_156 = tpu.memref_slice %arg3[%mul3A_2] : memref<4096xi32, #tpu.memory_space<hbm>> -> memref<128xi32, #tpu.memory_space<hbm>>
      %dma_start3A_157 = tpu.memref_slice %arg3[%mul3A_2] : memref<4096xi32, #tpu.memory_space<hbm>> -> memref<128xi32, #tpu.memory_space<hbm>>
      tpu.enqueue_dma source(%dma_start3A_157 : memref<128xi32, #tpu.memory_space<hbm>>) target(%arg9 : memref<128xi32, #tpu.memory_space<vmem>>) target_semaphore(%run_scoped3A_155 : memref<!tpu.dma_semaphore, #tpu.memory_space<semaphore_mem>>)
      %dma_wait3A_158 = tpu.memref_slice %arg3[%mul3A_2] : memref<4096xi32, #tpu.memory_space<hbm>> -> memref<128xi32, #tpu.memory_space<hbm>>
      %dma_wait3A_159 = tpu.memref_slice %arg3[%mul3A_2] : memref<4096xi32, #tpu.memory_space<hbm>> -> memref<128xi32, #tpu.memory_space<hbm>>
      tpu.wait_dma2 semaphore(%run_scoped3A_155 : memref<!tpu.dma_semaphore, #tpu.memory_space<semaphore_mem>>) src(%dma_wait3A_159 : memref<128xi32, #tpu.memory_space<hbm>>) dst(%arg9 : memref<128xi32, #tpu.memory_space<vmem>>)
      tpu.yield
    }) : () -> ()
    %add3A_3 = arith.constant 0 : i32
    %add3A_4 = arith.addi %add3A_3, %mul3A_2 : i32
    %run_scoped3A = arith.constant 0 : i32
    "tpu.region"() ({
      %run_scoped3A_155 = tpu.sem_alloc : memref<!tpu.dma_semaphore, #tpu.memory_space<semaphore_mem>>
      %dma_start3A_156 = arith.constant 0 : i32
      %dma_start3A_157 = tpu.memref_slice %arg10[%run_scoped3A, %dma_start3A_156] : memref<5x128xi32, #tpu.memory_space<vmem>> -> memref<1x128xi32, #tpu.memory_space<vmem>>
      %dma_start3A_158 = tpu.memref_squeeze %dma_start3A_157 : memref<1x128xi32, #tpu.memory_space<vmem>> -> memref<128xi32, #tpu.memory_space<vmem>>
      %dma_start3A_159 = tpu.memref_slice %arg4[%add3A_4] : memref<20480xi32, #tpu.memory_space<hbm>> -> memref<128xi32, #tpu.memory_space<hbm>>
      %dma_start3A_160 = arith.constant 0 : i32
      %dma_start3A_161 = tpu.memref_slice %arg10[%run_scoped3A, %dma_start3A_160] : memref<5x128xi32, #tpu.memory_space<vmem>> -> memref<1x128xi32, #tpu.memory_space<vmem>>
      %dma_start3A_162 = tpu.memref_squeeze %dma_start3A_161 : memref<1x128xi32, #tpu.memory_space<vmem>> -> memref<128xi32, #tpu.memory_space<vmem>>
      %dma_start3A_163 = tpu.memref_slice %arg4[%add3A_4] : memref<20480xi32, #tpu.memory_space<hbm>> -> memref<128xi32, #tpu.memory_space<hbm>>
      tpu.enqueue_dma source(%dma_start3A_163 : memref<128xi32, #tpu.memory_space<hbm>>) target(%dma_start3A_162 : memref<128xi32, #tpu.memory_space<vmem>>) target_semaphore(%run_scoped3A_155 : memref<!tpu.dma_semaphore, #tpu.memory_space<semaphore_mem>>)
      %dma_wait3A_164 = arith.constant 0 : i32
      %dma_wait3A_165 = tpu.memref_slice %arg10[%run_scoped3A, %dma_wait3A_164] : memref<5x128xi32, #tpu.memory_space<vmem>> -> memref<1x128xi32, #tpu.memory_space<vmem>>
      %dma_wait3A_166 = tpu.memref_squeeze %dma_wait3A_165 : memref<1x128xi32, #tpu.memory_space<vmem>> -> memref<128xi32, #tpu.memory_space<vmem>>
      %dma_wait3A_167 = tpu.memref_slice %arg4[%add3A_4] : memref<20480xi32, #tpu.memory_space<hbm>> -> memref<128xi32, #tpu.memory_space<hbm>>
      %dma_wait3A_168 = arith.constant 0 : i32
      %dma_wait3A_169 = tpu.memref_slice %arg10[%run_scoped3A, %dma_wait3A_168] : memref<5x128xi32, #tpu.memory_space<vmem>> -> memref<1x128xi32, #tpu.memory_space<vmem>>
      %dma_wait3A_170 = tpu.memref_squeeze %dma_wait3A_169 : memref<1x128xi32, #tpu.memory_space<vmem>> -> memref<128xi32, #tpu.memory_space<vmem>>
      %dma_wait3A_171 = tpu.memref_slice %arg4[%add3A_4] : memref<20480xi32, #tpu.memory_space<hbm>> -> memref<128xi32, #tpu.memory_space<hbm>>
      tpu.wait_dma2 semaphore(%run_scoped3A_155 : memref<!tpu.dma_semaphore, #tpu.memory_space<semaphore_mem>>) src(%dma_wait3A_171 : memref<128xi32, #tpu.memory_space<hbm>>) dst(%dma_wait3A_170 : memref<128xi32, #tpu.memory_space<vmem>>)
      tpu.yield
    }) : () -> ()
    %add3A_5 = arith.constant 4096 : i32
    %add3A_6 = arith.addi %add3A_5, %mul3A_2 : i32
    %run_scoped3A_7 = arith.constant 1 : i32
    "tpu.region"() ({
      %run_scoped3A_155 = tpu.sem_alloc : memref<!tpu.dma_semaphore, #tpu.memory_space<semaphore_mem>>
      %dma_start3A_156 = arith.constant 0 : i32
      %dma_start3A_157 = tpu.memref_slice %arg10[%run_scoped3A_7, %dma_start3A_156] : memref<5x128xi32, #tpu.memory_space<vmem>> -> memref<1x128xi32, #tpu.memory_space<vmem>>
      %dma_start3A_158 = tpu.memref_squeeze %dma_start3A_157 : memref<1x128xi32, #tpu.memory_space<vmem>> -> memref<128xi32, #tpu.memory_space<vmem>>
      %dma_start3A_159 = tpu.memref_slice %arg4[%add3A_6] : memref<20480xi32, #tpu.memory_space<hbm>> -> memref<128xi32, #tpu.memory_space<hbm>>
      %dma_start3A_160 = arith.constant 0 : i32
      %dma_start3A_161 = tpu.memref_slice %arg10[%run_scoped3A_7, %dma_start3A_160] : memref<5x128xi32, #tpu.memory_space<vmem>> -> memref<1x128xi32, #tpu.memory_space<vmem>>
      %dma_start3A_162 = tpu.memref_squeeze %dma_start3A_161 : memref<1x128xi32, #tpu.memory_space<vmem>> -> memref<128xi32, #tpu.memory_space<vmem>>
      %dma_start3A_163 = tpu.memref_slice %arg4[%add3A_6] : memref<20480xi32, #tpu.memory_space<hbm>> -> memref<128xi32, #tpu.memory_space<hbm>>
      tpu.enqueue_dma source(%dma_start3A_163 : memref<128xi32, #tpu.memory_space<hbm>>) target(%dma_start3A_162 : memref<128xi32, #tpu.memory_space<vmem>>) target_semaphore(%run_scoped3A_155 : memref<!tpu.dma_semaphore, #tpu.memory_space<semaphore_mem>>)
      %dma_wait3A_164 = arith.constant 0 : i32
      %dma_wait3A_165 = tpu.memref_slice %arg10[%run_scoped3A_7, %dma_wait3A_164] : memref<5x128xi32, #tpu.memory_space<vmem>> -> memref<1x128xi32, #tpu.memory_space<vmem>>
      %dma_wait3A_166 = tpu.memref_squeeze %dma_wait3A_165 : memref<1x128xi32, #tpu.memory_space<vmem>> -> memref<128xi32, #tpu.memory_space<vmem>>
      %dma_wait3A_167 = tpu.memref_slice %arg4[%add3A_6] : memref<20480xi32, #tpu.memory_space<hbm>> -> memref<128xi32, #tpu.memory_space<hbm>>
      %dma_wait3A_168 = arith.constant 0 : i32
      %dma_wait3A_169 = tpu.memref_slice %arg10[%run_scoped3A_7, %dma_wait3A_168] : memref<5x128xi32, #tpu.memory_space<vmem>> -> memref<1x128xi32, #tpu.memory_space<vmem>>
      %dma_wait3A_170 = tpu.memref_squeeze %dma_wait3A_169 : memref<1x128xi32, #tpu.memory_space<vmem>> -> memref<128xi32, #tpu.memory_space<vmem>>
      %dma_wait3A_171 = tpu.memref_slice %arg4[%add3A_6] : memref<20480xi32, #tpu.memory_space<hbm>> -> memref<128xi32, #tpu.memory_space<hbm>>
      tpu.wait_dma2 semaphore(%run_scoped3A_155 : memref<!tpu.dma_semaphore, #tpu.memory_space<semaphore_mem>>) src(%dma_wait3A_171 : memref<128xi32, #tpu.memory_space<hbm>>) dst(%dma_wait3A_170 : memref<128xi32, #tpu.memory_space<vmem>>)
      tpu.yield
    }) : () -> ()
    %add3A_8 = arith.constant 8192 : i32
    %add3A_9 = arith.addi %add3A_8, %mul3A_2 : i32
    %run_scoped3A_10 = arith.constant 2 : i32
    "tpu.region"() ({
      %run_scoped3A_155 = tpu.sem_alloc : memref<!tpu.dma_semaphore, #tpu.memory_space<semaphore_mem>>
      %dma_start3A_156 = arith.constant 0 : i32
      %dma_start3A_157 = tpu.memref_slice %arg10[%run_scoped3A_10, %dma_start3A_156] : memref<5x128xi32, #tpu.memory_space<vmem>> -> memref<1x128xi32, #tpu.memory_space<vmem>>
      %dma_start3A_158 = tpu.memref_squeeze %dma_start3A_157 : memref<1x128xi32, #tpu.memory_space<vmem>> -> memref<128xi32, #tpu.memory_space<vmem>>
      %dma_start3A_159 = tpu.memref_slice %arg4[%add3A_9] : memref<20480xi32, #tpu.memory_space<hbm>> -> memref<128xi32, #tpu.memory_space<hbm>>
      %dma_start3A_160 = arith.constant 0 : i32
      %dma_start3A_161 = tpu.memref_slice %arg10[%run_scoped3A_10, %dma_start3A_160] : memref<5x128xi32, #tpu.memory_space<vmem>> -> memref<1x128xi32, #tpu.memory_space<vmem>>
      %dma_start3A_162 = tpu.memref_squeeze %dma_start3A_161 : memref<1x128xi32, #tpu.memory_space<vmem>> -> memref<128xi32, #tpu.memory_space<vmem>>
      %dma_start3A_163 = tpu.memref_slice %arg4[%add3A_9] : memref<20480xi32, #tpu.memory_space<hbm>> -> memref<128xi32, #tpu.memory_space<hbm>>
      tpu.enqueue_dma source(%dma_start3A_163 : memref<128xi32, #tpu.memory_space<hbm>>) target(%dma_start3A_162 : memref<128xi32, #tpu.memory_space<vmem>>) target_semaphore(%run_scoped3A_155 : memref<!tpu.dma_semaphore, #tpu.memory_space<semaphore_mem>>)
      %dma_wait3A_164 = arith.constant 0 : i32
      %dma_wait3A_165 = tpu.memref_slice %arg10[%run_scoped3A_10, %dma_wait3A_164] : memref<5x128xi32, #tpu.memory_space<vmem>> -> memref<1x128xi32, #tpu.memory_space<vmem>>
      %dma_wait3A_166 = tpu.memref_squeeze %dma_wait3A_165 : memref<1x128xi32, #tpu.memory_space<vmem>> -> memref<128xi32, #tpu.memory_space<vmem>>
      %dma_wait3A_167 = tpu.memref_slice %arg4[%add3A_9] : memref<20480xi32, #tpu.memory_space<hbm>> -> memref<128xi32, #tpu.memory_space<hbm>>
      %dma_wait3A_168 = arith.constant 0 : i32
      %dma_wait3A_169 = tpu.memref_slice %arg10[%run_scoped3A_10, %dma_wait3A_168] : memref<5x128xi32, #tpu.memory_space<vmem>> -> memref<1x128xi32, #tpu.memory_space<vmem>>
      %dma_wait3A_170 = tpu.memref_squeeze %dma_wait3A_169 : memref<1x128xi32, #tpu.memory_space<vmem>> -> memref<128xi32, #tpu.memory_space<vmem>>
      %dma_wait3A_171 = tpu.memref_slice %arg4[%add3A_9] : memref<20480xi32, #tpu.memory_space<hbm>> -> memref<128xi32, #tpu.memory_space<hbm>>
      tpu.wait_dma2 semaphore(%run_scoped3A_155 : memref<!tpu.dma_semaphore, #tpu.memory_space<semaphore_mem>>) src(%dma_wait3A_171 : memref<128xi32, #tpu.memory_space<hbm>>) dst(%dma_wait3A_170 : memref<128xi32, #tpu.memory_space<vmem>>)
      tpu.yield
    }) : () -> ()
    %add3A_11 = arith.constant 12288 : i32
    %add3A_12 = arith.addi %add3A_11, %mul3A_2 : i32
    %run_scoped3A_13 = arith.constant 3 : i32
    "tpu.region"() ({
      %run_scoped3A_155 = tpu.sem_alloc : memref<!tpu.dma_semaphore, #tpu.memory_space<semaphore_mem>>
      %dma_start3A_156 = arith.constant 0 : i32
      %dma_start3A_157 = tpu.memref_slice %arg10[%run_scoped3A_13, %dma_start3A_156] : memref<5x128xi32, #tpu.memory_space<vmem>> -> memref<1x128xi32, #tpu.memory_space<vmem>>
      %dma_start3A_158 = tpu.memref_squeeze %dma_start3A_157 : memref<1x128xi32, #tpu.memory_space<vmem>> -> memref<128xi32, #tpu.memory_space<vmem>>
      %dma_start3A_159 = tpu.memref_slice %arg4[%add3A_12] : memref<20480xi32, #tpu.memory_space<hbm>> -> memref<128xi32, #tpu.memory_space<hbm>>
      %dma_start3A_160 = arith.constant 0 : i32
      %dma_start3A_161 = tpu.memref_slice %arg10[%run_scoped3A_13, %dma_start3A_160] : memref<5x128xi32, #tpu.memory_space<vmem>> -> memref<1x128xi32, #tpu.memory_space<vmem>>
      %dma_start3A_162 = tpu.memref_squeeze %dma_start3A_161 : memref<1x128xi32, #tpu.memory_space<vmem>> -> memref<128xi32, #tpu.memory_space<vmem>>
      %dma_start3A_163 = tpu.memref_slice %arg4[%add3A_12] : memref<20480xi32, #tpu.memory_space<hbm>> -> memref<128xi32, #tpu.memory_space<hbm>>
      tpu.enqueue_dma source(%dma_start3A_163 : memref<128xi32, #tpu.memory_space<hbm>>) target(%dma_start3A_162 : memref<128xi32, #tpu.memory_space<vmem>>) target_semaphore(%run_scoped3A_155 : memref<!tpu.dma_semaphore, #tpu.memory_space<semaphore_mem>>)
      %dma_wait3A_164 = arith.constant 0 : i32
      %dma_wait3A_165 = tpu.memref_slice %arg10[%run_scoped3A_13, %dma_wait3A_164] : memref<5x128xi32, #tpu.memory_space<vmem>> -> memref<1x128xi32, #tpu.memory_space<vmem>>
      %dma_wait3A_166 = tpu.memref_squeeze %dma_wait3A_165 : memref<1x128xi32, #tpu.memory_space<vmem>> -> memref<128xi32, #tpu.memory_space<vmem>>
      %dma_wait3A_167 = tpu.memref_slice %arg4[%add3A_12] : memref<20480xi32, #tpu.memory_space<hbm>> -> memref<128xi32, #tpu.memory_space<hbm>>
      %dma_wait3A_168 = arith.constant 0 : i32
      %dma_wait3A_169 = tpu.memref_slice %arg10[%run_scoped3A_13, %dma_wait3A_168] : memref<5x128xi32, #tpu.memory_space<vmem>> -> memref<1x128xi32, #tpu.memory_space<vmem>>
      %dma_wait3A_170 = tpu.memref_squeeze %dma_wait3A_169 : memref<1x128xi32, #tpu.memory_space<vmem>> -> memref<128xi32, #tpu.memory_space<vmem>>
      %dma_wait3A_171 = tpu.memref_slice %arg4[%add3A_12] : memref<20480xi32, #tpu.memory_space<hbm>> -> memref<128xi32, #tpu.memory_space<hbm>>
      tpu.wait_dma2 semaphore(%run_scoped3A_155 : memref<!tpu.dma_semaphore, #tpu.memory_space<semaphore_mem>>) src(%dma_wait3A_171 : memref<128xi32, #tpu.memory_space<hbm>>) dst(%dma_wait3A_170 : memref<128xi32, #tpu.memory_space<vmem>>)
      tpu.yield
    }) : () -> ()
    %add3A_14 = arith.constant 16384 : i32
    %add3A_15 = arith.addi %add3A_14, %mul3A_2 : i32
    %run_scoped3A_16 = arith.constant 4 : i32
    "tpu.region"() ({
      %run_scoped3A_155 = tpu.sem_alloc : memref<!tpu.dma_semaphore, #tpu.memory_space<semaphore_mem>>
      %dma_start3A_156 = arith.constant 0 : i32
      %dma_start3A_157 = tpu.memref_slice %arg10[%run_scoped3A_16, %dma_start3A_156] : memref<5x128xi32, #tpu.memory_space<vmem>> -> memref<1x128xi32, #tpu.memory_space<vmem>>
      %dma_start3A_158 = tpu.memref_squeeze %dma_start3A_157 : memref<1x128xi32, #tpu.memory_space<vmem>> -> memref<128xi32, #tpu.memory_space<vmem>>
      %dma_start3A_159 = tpu.memref_slice %arg4[%add3A_15] : memref<20480xi32, #tpu.memory_space<hbm>> -> memref<128xi32, #tpu.memory_space<hbm>>
      %dma_start3A_160 = arith.constant 0 : i32
      %dma_start3A_161 = tpu.memref_slice %arg10[%run_scoped3A_16, %dma_start3A_160] : memref<5x128xi32, #tpu.memory_space<vmem>> -> memref<1x128xi32, #tpu.memory_space<vmem>>
      %dma_start3A_162 = tpu.memref_squeeze %dma_start3A_161 : memref<1x128xi32, #tpu.memory_space<vmem>> -> memref<128xi32, #tpu.memory_space<vmem>>
      %dma_start3A_163 = tpu.memref_slice %arg4[%add3A_15] : memref<20480xi32, #tpu.memory_space<hbm>> -> memref<128xi32, #tpu.memory_space<hbm>>
      tpu.enqueue_dma source(%dma_start3A_163 : memref<128xi32, #tpu.memory_space<hbm>>) target(%dma_start3A_162 : memref<128xi32, #tpu.memory_space<vmem>>) target_semaphore(%run_scoped3A_155 : memref<!tpu.dma_semaphore, #tpu.memory_space<semaphore_mem>>)
      %dma_wait3A_164 = arith.constant 0 : i32
      %dma_wait3A_165 = tpu.memref_slice %arg10[%run_scoped3A_16, %dma_wait3A_164] : memref<5x128xi32, #tpu.memory_space<vmem>> -> memref<1x128xi32, #tpu.memory_space<vmem>>
      %dma_wait3A_166 = tpu.memref_squeeze %dma_wait3A_165 : memref<1x128xi32, #tpu.memory_space<vmem>> -> memref<128xi32, #tpu.memory_space<vmem>>
      %dma_wait3A_167 = tpu.memref_slice %arg4[%add3A_15] : memref<20480xi32, #tpu.memory_space<hbm>> -> memref<128xi32, #tpu.memory_space<hbm>>
      %dma_wait3A_168 = arith.constant 0 : i32
      %dma_wait3A_169 = tpu.memref_slice %arg10[%run_scoped3A_16, %dma_wait3A_168] : memref<5x128xi32, #tpu.memory_space<vmem>> -> memref<1x128xi32, #tpu.memory_space<vmem>>
      %dma_wait3A_170 = tpu.memref_squeeze %dma_wait3A_169 : memref<1x128xi32, #tpu.memory_space<vmem>> -> memref<128xi32, #tpu.memory_space<vmem>>
      %dma_wait3A_171 = tpu.memref_slice %arg4[%add3A_15] : memref<20480xi32, #tpu.memory_space<hbm>> -> memref<128xi32, #tpu.memory_space<hbm>>
      tpu.wait_dma2 semaphore(%run_scoped3A_155 : memref<!tpu.dma_semaphore, #tpu.memory_space<semaphore_mem>>) src(%dma_wait3A_171 : memref<128xi32, #tpu.memory_space<hbm>>) dst(%dma_wait3A_170 : memref<128xi32, #tpu.memory_space<vmem>>)
      tpu.yield
    }) : () -> ()
    %dma_start3A = arith.constant 0 : i32
    %dma_start3A_17 = arith.constant 0 : i32
    %dma_start3A_18 = tpu.memref_slice %arg5[%dma_start3A, %dma_start3A_17] : memref<100000x128xf32, #tpu.memory_space<hbm>> -> memref<100000x128xf32, #tpu.memory_space<hbm>>
    tpu.enqueue_indirect_dma source(%dma_start3A_18 : memref<100000x128xf32, #tpu.memory_space<hbm>>) target(%arg11 : memref<128x128xf32, #tpu.memory_space<vmem>>) offsets(%arg8 : memref<128xi32, #tpu.memory_space<vmem>>) semaphore(%arg15 : memref<!tpu.dma_semaphore, #tpu.memory_space<semaphore_mem>>)
    %dma_start3A_19 = arith.constant 0 : i32
    %dma_start3A_20 = arith.constant 0 : i32
    %dma_start3A_21 = tpu.memref_slice %arg6[%dma_start3A_19, %dma_start3A_20] : memref<100000x128xf32, #tpu.memory_space<hbm>> -> memref<100000x128xf32, #tpu.memory_space<hbm>>
    tpu.enqueue_indirect_dma source(%dma_start3A_21 : memref<100000x128xf32, #tpu.memory_space<hbm>>) target(%arg12 : memref<128x128xf32, #tpu.memory_space<vmem>>) offsets(%arg9 : memref<128xi32, #tpu.memory_space<vmem>>) semaphore(%arg15 : memref<!tpu.dma_semaphore, #tpu.memory_space<semaphore_mem>>)
    %dma_start3A_22 = arith.constant 0 : i32
    %dma_start3A_23 = arith.constant 0 : i32
    %dma_start3A_24 = arith.constant 0 : i32
    %dma_start3A_25 = arith.constant 0 : i32
    %dma_start3A_26 = tpu.memref_slice %arg13[%dma_start3A_23, %dma_start3A_24, %dma_start3A_25] : memref<5x128x128xf32, #tpu.memory_space<vmem>> -> memref<1x128x128xf32, #tpu.memory_space<vmem>>
    %dma_start3A_27 = tpu.memref_squeeze %dma_start3A_26 : memref<1x128x128xf32, #tpu.memory_space<vmem>> -> memref<128x128xf32, #tpu.memory_space<vmem>>
    %dma_start3A_28 = arith.constant 0 : i32
    %dma_start3A_29 = tpu.memref_slice %arg10[%dma_start3A_22, %dma_start3A_28] : memref<5x128xi32, #tpu.memory_space<vmem>> -> memref<1x128xi32, #tpu.memory_space<vmem>>
    %dma_start3A_30 = tpu.memref_squeeze %dma_start3A_29 : memref<1x128xi32, #tpu.memory_space<vmem>> -> memref<128xi32, #tpu.memory_space<vmem>>
    %dma_start3A_31 = arith.constant 0 : i32
    %dma_start3A_32 = arith.constant 0 : i32
    %dma_start3A_33 = tpu.memref_slice %arg6[%dma_start3A_31, %dma_start3A_32] : memref<100000x128xf32, #tpu.memory_space<hbm>> -> memref<100000x128xf32, #tpu.memory_space<hbm>>
    tpu.enqueue_indirect_dma source(%dma_start3A_33 : memref<100000x128xf32, #tpu.memory_space<hbm>>) target(%dma_start3A_27 : memref<128x128xf32, #tpu.memory_space<vmem>>) offsets(%dma_start3A_30 : memref<128xi32, #tpu.memory_space<vmem>>) semaphore(%arg15 : memref<!tpu.dma_semaphore, #tpu.memory_space<semaphore_mem>>)
    %dma_start3A_34 = arith.constant 1 : i32
    %dma_start3A_35 = arith.constant 1 : i32
    %dma_start3A_36 = arith.constant 0 : i32
    %dma_start3A_37 = arith.constant 0 : i32
    %dma_start3A_38 = tpu.memref_slice %arg13[%dma_start3A_35, %dma_start3A_36, %dma_start3A_37] : memref<5x128x128xf32, #tpu.memory_space<vmem>> -> memref<1x128x128xf32, #tpu.memory_space<vmem>>
    %dma_start3A_39 = tpu.memref_squeeze %dma_start3A_38 : memref<1x128x128xf32, #tpu.memory_space<vmem>> -> memref<128x128xf32, #tpu.memory_space<vmem>>
    %dma_start3A_40 = arith.constant 0 : i32
    %dma_start3A_41 = tpu.memref_slice %arg10[%dma_start3A_34, %dma_start3A_40] : memref<5x128xi32, #tpu.memory_space<vmem>> -> memref<1x128xi32, #tpu.memory_space<vmem>>
    %dma_start3A_42 = tpu.memref_squeeze %dma_start3A_41 : memref<1x128xi32, #tpu.memory_space<vmem>> -> memref<128xi32, #tpu.memory_space<vmem>>
    %dma_start3A_43 = arith.constant 0 : i32
    %dma_start3A_44 = arith.constant 0 : i32
    %dma_start3A_45 = tpu.memref_slice %arg6[%dma_start3A_43, %dma_start3A_44] : memref<100000x128xf32, #tpu.memory_space<hbm>> -> memref<100000x128xf32, #tpu.memory_space<hbm>>
    tpu.enqueue_indirect_dma source(%dma_start3A_45 : memref<100000x128xf32, #tpu.memory_space<hbm>>) target(%dma_start3A_39 : memref<128x128xf32, #tpu.memory_space<vmem>>) offsets(%dma_start3A_42 : memref<128xi32, #tpu.memory_space<vmem>>) semaphore(%arg15 : memref<!tpu.dma_semaphore, #tpu.memory_space<semaphore_mem>>)
    %dma_start3A_46 = arith.constant 2 : i32
    %dma_start3A_47 = arith.constant 2 : i32
    %dma_start3A_48 = arith.constant 0 : i32
    %dma_start3A_49 = arith.constant 0 : i32
    %dma_start3A_50 = tpu.memref_slice %arg13[%dma_start3A_47, %dma_start3A_48, %dma_start3A_49] : memref<5x128x128xf32, #tpu.memory_space<vmem>> -> memref<1x128x128xf32, #tpu.memory_space<vmem>>
    %dma_start3A_51 = tpu.memref_squeeze %dma_start3A_50 : memref<1x128x128xf32, #tpu.memory_space<vmem>> -> memref<128x128xf32, #tpu.memory_space<vmem>>
    %dma_start3A_52 = arith.constant 0 : i32
    %dma_start3A_53 = tpu.memref_slice %arg10[%dma_start3A_46, %dma_start3A_52] : memref<5x128xi32, #tpu.memory_space<vmem>> -> memref<1x128xi32, #tpu.memory_space<vmem>>
    %dma_start3A_54 = tpu.memref_squeeze %dma_start3A_53 : memref<1x128xi32, #tpu.memory_space<vmem>> -> memref<128xi32, #tpu.memory_space<vmem>>
    %dma_start3A_55 = arith.constant 0 : i32
    %dma_start3A_56 = arith.constant 0 : i32
    %dma_start3A_57 = tpu.memref_slice %arg6[%dma_start3A_55, %dma_start3A_56] : memref<100000x128xf32, #tpu.memory_space<hbm>> -> memref<100000x128xf32, #tpu.memory_space<hbm>>
    tpu.enqueue_indirect_dma source(%dma_start3A_57 : memref<100000x128xf32, #tpu.memory_space<hbm>>) target(%dma_start3A_51 : memref<128x128xf32, #tpu.memory_space<vmem>>) offsets(%dma_start3A_54 : memref<128xi32, #tpu.memory_space<vmem>>) semaphore(%arg15 : memref<!tpu.dma_semaphore, #tpu.memory_space<semaphore_mem>>)
    %dma_start3A_58 = arith.constant 3 : i32
    %dma_start3A_59 = arith.constant 3 : i32
    %dma_start3A_60 = arith.constant 0 : i32
    %dma_start3A_61 = arith.constant 0 : i32
    %dma_start3A_62 = tpu.memref_slice %arg13[%dma_start3A_59, %dma_start3A_60, %dma_start3A_61] : memref<5x128x128xf32, #tpu.memory_space<vmem>> -> memref<1x128x128xf32, #tpu.memory_space<vmem>>
    %dma_start3A_63 = tpu.memref_squeeze %dma_start3A_62 : memref<1x128x128xf32, #tpu.memory_space<vmem>> -> memref<128x128xf32, #tpu.memory_space<vmem>>
    %dma_start3A_64 = arith.constant 0 : i32
    %dma_start3A_65 = tpu.memref_slice %arg10[%dma_start3A_58, %dma_start3A_64] : memref<5x128xi32, #tpu.memory_space<vmem>> -> memref<1x128xi32, #tpu.memory_space<vmem>>
    %dma_start3A_66 = tpu.memref_squeeze %dma_start3A_65 : memref<1x128xi32, #tpu.memory_space<vmem>> -> memref<128xi32, #tpu.memory_space<vmem>>
    %dma_start3A_67 = arith.constant 0 : i32
    %dma_start3A_68 = arith.constant 0 : i32
    %dma_start3A_69 = tpu.memref_slice %arg6[%dma_start3A_67, %dma_start3A_68] : memref<100000x128xf32, #tpu.memory_space<hbm>> -> memref<100000x128xf32, #tpu.memory_space<hbm>>
    tpu.enqueue_indirect_dma source(%dma_start3A_69 : memref<100000x128xf32, #tpu.memory_space<hbm>>) target(%dma_start3A_63 : memref<128x128xf32, #tpu.memory_space<vmem>>) offsets(%dma_start3A_66 : memref<128xi32, #tpu.memory_space<vmem>>) semaphore(%arg15 : memref<!tpu.dma_semaphore, #tpu.memory_space<semaphore_mem>>)
    %dma_start3A_70 = arith.constant 4 : i32
    %dma_start3A_71 = arith.constant 4 : i32
    %dma_start3A_72 = arith.constant 0 : i32
    %dma_start3A_73 = arith.constant 0 : i32
    %dma_start3A_74 = tpu.memref_slice %arg13[%dma_start3A_71, %dma_start3A_72, %dma_start3A_73] : memref<5x128x128xf32, #tpu.memory_space<vmem>> -> memref<1x128x128xf32, #tpu.memory_space<vmem>>
    %dma_start3A_75 = tpu.memref_squeeze %dma_start3A_74 : memref<1x128x128xf32, #tpu.memory_space<vmem>> -> memref<128x128xf32, #tpu.memory_space<vmem>>
    %dma_start3A_76 = arith.constant 0 : i32
    %dma_start3A_77 = tpu.memref_slice %arg10[%dma_start3A_70, %dma_start3A_76] : memref<5x128xi32, #tpu.memory_space<vmem>> -> memref<1x128xi32, #tpu.memory_space<vmem>>
    %dma_start3A_78 = tpu.memref_squeeze %dma_start3A_77 : memref<1x128xi32, #tpu.memory_space<vmem>> -> memref<128xi32, #tpu.memory_space<vmem>>
    %dma_start3A_79 = arith.constant 0 : i32
    %dma_start3A_80 = arith.constant 0 : i32
    %dma_start3A_81 = tpu.memref_slice %arg6[%dma_start3A_79, %dma_start3A_80] : memref<100000x128xf32, #tpu.memory_space<hbm>> -> memref<100000x128xf32, #tpu.memory_space<hbm>>
    tpu.enqueue_indirect_dma source(%dma_start3A_81 : memref<100000x128xf32, #tpu.memory_space<hbm>>) target(%dma_start3A_75 : memref<128x128xf32, #tpu.memory_space<vmem>>) offsets(%dma_start3A_78 : memref<128xi32, #tpu.memory_space<vmem>>) semaphore(%arg15 : memref<!tpu.dma_semaphore, #tpu.memory_space<semaphore_mem>>)
    %dma_wait3A = arith.constant 0 : i32
    %dma_wait3A_82 = arith.constant 0 : i32
    %dma_wait3A_83 = tpu.memref_slice %arg5[%dma_wait3A, %dma_wait3A_82] : memref<100000x128xf32, #tpu.memory_space<hbm>> -> memref<100000x128xf32, #tpu.memory_space<hbm>>
    tpu.wait_indirect_dma semaphore(%arg15 : memref<!tpu.dma_semaphore, #tpu.memory_space<semaphore_mem>>) src(%dma_wait3A_83 : memref<100000x128xf32, #tpu.memory_space<hbm>>) dst(%arg11 : memref<128x128xf32, #tpu.memory_space<vmem>>)
    %dma_wait3A_84 = arith.constant 0 : i32
    %dma_wait3A_85 = arith.constant 0 : i32
    %dma_wait3A_86 = tpu.memref_slice %arg6[%dma_wait3A_84, %dma_wait3A_85] : memref<100000x128xf32, #tpu.memory_space<hbm>> -> memref<100000x128xf32, #tpu.memory_space<hbm>>
    tpu.wait_indirect_dma semaphore(%arg15 : memref<!tpu.dma_semaphore, #tpu.memory_space<semaphore_mem>>) src(%dma_wait3A_86 : memref<100000x128xf32, #tpu.memory_space<hbm>>) dst(%arg12 : memref<128x128xf32, #tpu.memory_space<vmem>>)
    %dma_wait3A_87 = arith.constant 0 : i32
    %dma_wait3A_88 = arith.constant 0 : i32
    %dma_wait3A_89 = arith.constant 0 : i32
    %dma_wait3A_90 = arith.constant 0 : i32
    %dma_wait3A_91 = tpu.memref_slice %arg13[%dma_wait3A_88, %dma_wait3A_89, %dma_wait3A_90] : memref<5x128x128xf32, #tpu.memory_space<vmem>> -> memref<1x128x128xf32, #tpu.memory_space<vmem>>
    %dma_wait3A_92 = tpu.memref_squeeze %dma_wait3A_91 : memref<1x128x128xf32, #tpu.memory_space<vmem>> -> memref<128x128xf32, #tpu.memory_space<vmem>>
    %dma_wait3A_93 = arith.constant 0 : i32
    %dma_wait3A_94 = tpu.memref_slice %arg10[%dma_wait3A_87, %dma_wait3A_93] : memref<5x128xi32, #tpu.memory_space<vmem>> -> memref<1x128xi32, #tpu.memory_space<vmem>>
    %dma_wait3A_95 = tpu.memref_squeeze %dma_wait3A_94 : memref<1x128xi32, #tpu.memory_space<vmem>> -> memref<128xi32, #tpu.memory_space<vmem>>
    %dma_wait3A_96 = arith.constant 0 : i32
    %dma_wait3A_97 = arith.constant 0 : i32
    %dma_wait3A_98 = tpu.memref_slice %arg6[%dma_wait3A_96, %dma_wait3A_97] : memref<100000x128xf32, #tpu.memory_space<hbm>> -> memref<100000x128xf32, #tpu.memory_space<hbm>>
    tpu.wait_indirect_dma semaphore(%arg15 : memref<!tpu.dma_semaphore, #tpu.memory_space<semaphore_mem>>) src(%dma_wait3A_98 : memref<100000x128xf32, #tpu.memory_space<hbm>>) dst(%dma_wait3A_92 : memref<128x128xf32, #tpu.memory_space<vmem>>)
    %dma_wait3A_99 = arith.constant 1 : i32
    %dma_wait3A_100 = arith.constant 1 : i32
    %dma_wait3A_101 = arith.constant 0 : i32
    %dma_wait3A_102 = arith.constant 0 : i32
    %dma_wait3A_103 = tpu.memref_slice %arg13[%dma_wait3A_100, %dma_wait3A_101, %dma_wait3A_102] : memref<5x128x128xf32, #tpu.memory_space<vmem>> -> memref<1x128x128xf32, #tpu.memory_space<vmem>>
    %dma_wait3A_104 = tpu.memref_squeeze %dma_wait3A_103 : memref<1x128x128xf32, #tpu.memory_space<vmem>> -> memref<128x128xf32, #tpu.memory_space<vmem>>
    %dma_wait3A_105 = arith.constant 0 : i32
    %dma_wait3A_106 = tpu.memref_slice %arg10[%dma_wait3A_99, %dma_wait3A_105] : memref<5x128xi32, #tpu.memory_space<vmem>> -> memref<1x128xi32, #tpu.memory_space<vmem>>
    %dma_wait3A_107 = tpu.memref_squeeze %dma_wait3A_106 : memref<1x128xi32, #tpu.memory_space<vmem>> -> memref<128xi32, #tpu.memory_space<vmem>>
    %dma_wait3A_108 = arith.constant 0 : i32
    %dma_wait3A_109 = arith.constant 0 : i32
    %dma_wait3A_110 = tpu.memref_slice %arg6[%dma_wait3A_108, %dma_wait3A_109] : memref<100000x128xf32, #tpu.memory_space<hbm>> -> memref<100000x128xf32, #tpu.memory_space<hbm>>
    tpu.wait_indirect_dma semaphore(%arg15 : memref<!tpu.dma_semaphore, #tpu.memory_space<semaphore_mem>>) src(%dma_wait3A_110 : memref<100000x128xf32, #tpu.memory_space<hbm>>) dst(%dma_wait3A_104 : memref<128x128xf32, #tpu.memory_space<vmem>>)
    %dma_wait3A_111 = arith.constant 2 : i32
    %dma_wait3A_112 = arith.constant 2 : i32
    %dma_wait3A_113 = arith.constant 0 : i32
    %dma_wait3A_114 = arith.constant 0 : i32
    %dma_wait3A_115 = tpu.memref_slice %arg13[%dma_wait3A_112, %dma_wait3A_113, %dma_wait3A_114] : memref<5x128x128xf32, #tpu.memory_space<vmem>> -> memref<1x128x128xf32, #tpu.memory_space<vmem>>
    %dma_wait3A_116 = tpu.memref_squeeze %dma_wait3A_115 : memref<1x128x128xf32, #tpu.memory_space<vmem>> -> memref<128x128xf32, #tpu.memory_space<vmem>>
    %dma_wait3A_117 = arith.constant 0 : i32
    %dma_wait3A_118 = tpu.memref_slice %arg10[%dma_wait3A_111, %dma_wait3A_117] : memref<5x128xi32, #tpu.memory_space<vmem>> -> memref<1x128xi32, #tpu.memory_space<vmem>>
    %dma_wait3A_119 = tpu.memref_squeeze %dma_wait3A_118 : memref<1x128xi32, #tpu.memory_space<vmem>> -> memref<128xi32, #tpu.memory_space<vmem>>
    %dma_wait3A_120 = arith.constant 0 : i32
    %dma_wait3A_121 = arith.constant 0 : i32
    %dma_wait3A_122 = tpu.memref_slice %arg6[%dma_wait3A_120, %dma_wait3A_121] : memref<100000x128xf32, #tpu.memory_space<hbm>> -> memref<100000x128xf32, #tpu.memory_space<hbm>>
    tpu.wait_indirect_dma semaphore(%arg15 : memref<!tpu.dma_semaphore, #tpu.memory_space<semaphore_mem>>) src(%dma_wait3A_122 : memref<100000x128xf32, #tpu.memory_space<hbm>>) dst(%dma_wait3A_116 : memref<128x128xf32, #tpu.memory_space<vmem>>)
    %dma_wait3A_123 = arith.constant 3 : i32
    %dma_wait3A_124 = arith.constant 3 : i32
    %dma_wait3A_125 = arith.constant 0 : i32
    %dma_wait3A_126 = arith.constant 0 : i32
    %dma_wait3A_127 = tpu.memref_slice %arg13[%dma_wait3A_124, %dma_wait3A_125, %dma_wait3A_126] : memref<5x128x128xf32, #tpu.memory_space<vmem>> -> memref<1x128x128xf32, #tpu.memory_space<vmem>>
    %dma_wait3A_128 = tpu.memref_squeeze %dma_wait3A_127 : memref<1x128x128xf32, #tpu.memory_space<vmem>> -> memref<128x128xf32, #tpu.memory_space<vmem>>
    %dma_wait3A_129 = arith.constant 0 : i32
    %dma_wait3A_130 = tpu.memref_slice %arg10[%dma_wait3A_123, %dma_wait3A_129] : memref<5x128xi32, #tpu.memory_space<vmem>> -> memref<1x128xi32, #tpu.memory_space<vmem>>
    %dma_wait3A_131 = tpu.memref_squeeze %dma_wait3A_130 : memref<1x128xi32, #tpu.memory_space<vmem>> -> memref<128xi32, #tpu.memory_space<vmem>>
    %dma_wait3A_132 = arith.constant 0 : i32
    %dma_wait3A_133 = arith.constant 0 : i32
    %dma_wait3A_134 = tpu.memref_slice %arg6[%dma_wait3A_132, %dma_wait3A_133] : memref<100000x128xf32, #tpu.memory_space<hbm>> -> memref<100000x128xf32, #tpu.memory_space<hbm>>
    tpu.wait_indirect_dma semaphore(%arg15 : memref<!tpu.dma_semaphore, #tpu.memory_space<semaphore_mem>>) src(%dma_wait3A_134 : memref<100000x128xf32, #tpu.memory_space<hbm>>) dst(%dma_wait3A_128 : memref<128x128xf32, #tpu.memory_space<vmem>>)
    %dma_wait3A_135 = arith.constant 4 : i32
    %dma_wait3A_136 = arith.constant 4 : i32
    %dma_wait3A_137 = arith.constant 0 : i32
    %dma_wait3A_138 = arith.constant 0 : i32
    %dma_wait3A_139 = tpu.memref_slice %arg13[%dma_wait3A_136, %dma_wait3A_137, %dma_wait3A_138] : memref<5x128x128xf32, #tpu.memory_space<vmem>> -> memref<1x128x128xf32, #tpu.memory_space<vmem>>
    %dma_wait3A_140 = tpu.memref_squeeze %dma_wait3A_139 : memref<1x128x128xf32, #tpu.memory_space<vmem>> -> memref<128x128xf32, #tpu.memory_space<vmem>>
    %dma_wait3A_141 = arith.constant 0 : i32
    %dma_wait3A_142 = tpu.memref_slice %arg10[%dma_wait3A_135, %dma_wait3A_141] : memref<5x128xi32, #tpu.memory_space<vmem>> -> memref<1x128xi32, #tpu.memory_space<vmem>>
    %dma_wait3A_143 = tpu.memref_squeeze %dma_wait3A_142 : memref<1x128xi32, #tpu.memory_space<vmem>> -> memref<128xi32, #tpu.memory_space<vmem>>
    %dma_wait3A_144 = arith.constant 0 : i32
    %dma_wait3A_145 = arith.constant 0 : i32
    %dma_wait3A_146 = tpu.memref_slice %arg6[%dma_wait3A_144, %dma_wait3A_145] : memref<100000x128xf32, #tpu.memory_space<hbm>> -> memref<100000x128xf32, #tpu.memory_space<hbm>>
    tpu.wait_indirect_dma semaphore(%arg15 : memref<!tpu.dma_semaphore, #tpu.memory_space<semaphore_mem>>) src(%dma_wait3A_146 : memref<100000x128xf32, #tpu.memory_space<hbm>>) dst(%dma_wait3A_140 : memref<128x128xf32, #tpu.memory_space<vmem>>)
    %iota3A = tpu.iota {dimensions = array<i32: 0>} : vector<16xi32>
    %broadcast_in_dim3A = arith.constant 0.000000e+00 : f32
    %broadcast_in_dim3A_147 = vector.broadcast %broadcast_in_dim3A : f32 to vector<16xf32>
    %scan3A = arith.constant 0 : i32
    %scan3A_148 = arith.constant 0 : i32
    %scan3A_149 = arith.constant 8 : i32
    %scan3A_150 = arith.addi %scan3A_148, %scan3A_149 : i32
    %scan3A_151 = arith.constant 1 : i32
    scf.for %scan3A_155 = %scan3A_148 to %scan3A_150 step %scan3A_151  : i32 {
      %scan3A_156 = arith.constant 0 : i32
      %scan3A_157 = arith.constant 16 : i32
      %scan3A_158 = arith.addi %scan3A_156, %scan3A_157 : i32
      %scan3A_159 = arith.constant 1 : i32
      %scan3A_160:6 = scf.for %scan3A_197 = %scan3A_156 to %scan3A_158 step %scan3A_159 iter_args(%scan3A_198 = %broadcast_in_dim3A_147, %scan3A_199 = %broadcast_in_dim3A_147, %scan3A_200 = %broadcast_in_dim3A_147, %scan3A_201 = %broadcast_in_dim3A_147, %scan3A_202 = %broadcast_in_dim3A_147, %scan3A_203 = %broadcast_in_dim3A_147) -> (vector<16xf32>, vector<16xf32>, vector<16xf32>, vector<16xf32>, vector<16xf32>, vector<16xf32>)  : i32 {
        %mul3A_204 = arith.constant 16 : i32
        %mul3A_205 = arith.muli %scan3A_155, %mul3A_204 : i32
        %add3A_206 = arith.addi %mul3A_205, %scan3A_197 : i32
        %get3A = arith.index_cast %add3A_206 : i32 to index
        %get3A_207 = arith.constant 0 : index
        %get3A_208 = tpu.vector_load %arg11[%get3A, %get3A_207] {strides = array<i32>} : memref<128x128xf32, #tpu.memory_space<vmem>>, vector<16xf32>,
        %get3A_209 = arith.index_cast %add3A_206 : i32 to index
        %get3A_210 = arith.constant 16 : index
        %get3A_211 = tpu.vector_load %arg11[%get3A_209, %get3A_210] {strides = array<i32>} : memref<128x128xf32, #tpu.memory_space<vmem>>, vector<16xf32>,
        %get3A_212 = arith.index_cast %add3A_206 : i32 to index
        %get3A_213 = arith.constant 32 : index
        %get3A_214 = tpu.vector_load %arg11[%get3A_212, %get3A_213] {strides = array<i32>} : memref<128x128xf32, #tpu.memory_space<vmem>>, vector<16xf32>,
        %get3A_215 = arith.index_cast %add3A_206 : i32 to index
        %get3A_216 = arith.constant 48 : index
        %get3A_217 = tpu.vector_load %arg11[%get3A_215, %get3A_216] {strides = array<i32>} : memref<128x128xf32, #tpu.memory_space<vmem>>, vector<16xf32>,
        %get3A_218 = arith.index_cast %add3A_206 : i32 to index
        %get3A_219 = arith.constant 64 : index
        %get3A_220 = tpu.vector_load %arg11[%get3A_218, %get3A_219] {strides = array<i32>} : memref<128x128xf32, #tpu.memory_space<vmem>>, vector<16xf32>,
        %get3A_221 = arith.index_cast %add3A_206 : i32 to index
        %get3A_222 = arith.constant 80 : index
        %get3A_223 = tpu.vector_load %arg11[%get3A_221, %get3A_222] {strides = array<i32>} : memref<128x128xf32, #tpu.memory_space<vmem>>, vector<16xf32>,
        %get3A_224 = arith.index_cast %add3A_206 : i32 to index
        %get3A_225 = arith.constant 96 : index
        %get3A_226 = tpu.vector_load %arg11[%get3A_224, %get3A_225] {strides = array<i32>} : memref<128x128xf32, #tpu.memory_space<vmem>>, vector<16xf32>,
        %get3A_227 = arith.index_cast %add3A_206 : i32 to index
        %get3A_228 = arith.constant 112 : index
        %get3A_229 = tpu.vector_load %arg11[%get3A_227, %get3A_228] {strides = array<i32>} : memref<128x128xf32, #tpu.memory_space<vmem>>, vector<16xf32>,
        %get3A_230 = arith.index_cast %add3A_206 : i32 to index
        %get3A_231 = arith.constant 0 : index
        %get3A_232 = tpu.vector_load %arg12[%get3A_230, %get3A_231] {strides = array<i32>} : memref<128x128xf32, #tpu.memory_space<vmem>>, vector<16xf32>,
        %mul3A_233 = arith.mulf %get3A_208, %get3A_232 : vector<16xf32>
        %get3A_234 = arith.index_cast %add3A_206 : i32 to index
        %get3A_235 = arith.constant 16 : index
        %get3A_236 = tpu.vector_load %arg12[%get3A_234, %get3A_235] {strides = array<i32>} : memref<128x128xf32, #tpu.memory_space<vmem>>, vector<16xf32>,
        %mul3A_237 = arith.mulf %get3A_211, %get3A_236 : vector<16xf32>
        %add3A_238 = arith.addf %mul3A_233, %mul3A_237 : vector<16xf32>
        %get3A_239 = arith.index_cast %add3A_206 : i32 to index
        %get3A_240 = arith.constant 32 : index
        %get3A_241 = tpu.vector_load %arg12[%get3A_239, %get3A_240] {strides = array<i32>} : memref<128x128xf32, #tpu.memory_space<vmem>>, vector<16xf32>,
        %mul3A_242 = arith.mulf %get3A_214, %get3A_241 : vector<16xf32>
        %add3A_243 = arith.addf %add3A_238, %mul3A_242 : vector<16xf32>
        %get3A_244 = arith.index_cast %add3A_206 : i32 to index
        %get3A_245 = arith.constant 48 : index
        %get3A_246 = tpu.vector_load %arg12[%get3A_244, %get3A_245] {strides = array<i32>} : memref<128x128xf32, #tpu.memory_space<vmem>>, vector<16xf32>,
        %mul3A_247 = arith.mulf %get3A_217, %get3A_246 : vector<16xf32>
        %add3A_248 = arith.addf %add3A_243, %mul3A_247 : vector<16xf32>
        %get3A_249 = arith.index_cast %add3A_206 : i32 to index
        %get3A_250 = arith.constant 64 : index
        %get3A_251 = tpu.vector_load %arg12[%get3A_249, %get3A_250] {strides = array<i32>} : memref<128x128xf32, #tpu.memory_space<vmem>>, vector<16xf32>,
        %mul3A_252 = arith.mulf %get3A_220, %get3A_251 : vector<16xf32>
        %add3A_253 = arith.addf %add3A_248, %mul3A_252 : vector<16xf32>
        %get3A_254 = arith.index_cast %add3A_206 : i32 to index
        %get3A_255 = arith.constant 80 : index
        %get3A_256 = tpu.vector_load %arg12[%get3A_254, %get3A_255] {strides = array<i32>} : memref<128x128xf32, #tpu.memory_space<vmem>>, vector<16xf32>,
        %mul3A_257 = arith.mulf %get3A_223, %get3A_256 : vector<16xf32>
        %add3A_258 = arith.addf %add3A_253, %mul3A_257 : vector<16xf32>
        %get3A_259 = arith.index_cast %add3A_206 : i32 to index
        %get3A_260 = arith.constant 96 : index
        %get3A_261 = tpu.vector_load %arg12[%get3A_259, %get3A_260] {strides = array<i32>} : memref<128x128xf32, #tpu.memory_space<vmem>>, vector<16xf32>,
        %mul3A_262 = arith.mulf %get3A_226, %get3A_261 : vector<16xf32>
        %add3A_263 = arith.addf %add3A_258, %mul3A_262 : vector<16xf32>
        %get3A_264 = arith.index_cast %add3A_206 : i32 to index
        %get3A_265 = arith.constant 112 : index
        %get3A_266 = tpu.vector_load %arg12[%get3A_264, %get3A_265] {strides = array<i32>} : memref<128x128xf32, #tpu.memory_space<vmem>>, vector<16xf32>,
        %mul3A_267 = arith.mulf %get3A_229, %get3A_266 : vector<16xf32>
        %add3A_268 = arith.addf %add3A_263, %mul3A_267 : vector<16xf32>
        %eq3A = vector.broadcast %scan3A_197 : i32 to vector<16xi32>
        %eq3A_269 = arith.cmpi eq, %iota3A, %eq3A : vector<16xi32>
        %reduce_sum3A = arith.constant true
        %reduce_sum3A_270 = vector.broadcast %reduce_sum3A : i1 to vector<16xi1>
        %reduce_sum3A_271 = tpu.scan <sum>, %add3A_268 masked %reduce_sum3A_270 : vector<16xf32>, vector<16xi1> -> vector<16xf32>
        %reduce_sum3A_272 = vector.extract %reduce_sum3A_271[15] : f32 from vector<16xf32>
        %broadcast_in_dim3A_273 = vector.broadcast %reduce_sum3A_272 : f32 to vector<16xf32>
        %select_n3A = arith.select %eq3A_269, %broadcast_in_dim3A_273, %scan3A_198 : vector<16xi1>, vector<16xf32>
        %get3A_274 = arith.constant 0 : i32
        %get3A_275 = arith.index_cast %get3A_274 : i32 to index
        %get3A_276 = arith.index_cast %add3A_206 : i32 to index
        %get3A_277 = arith.constant 0 : index
        %get3A_278 = tpu.vector_load %arg13[%get3A_275, %get3A_276, %get3A_277] {strides = array<i32>} : memref<5x128x128xf32, #tpu.memory_space<vmem>>, vector<16xf32>,
        %mul3A_279 = arith.mulf %get3A_208, %get3A_278 : vector<16xf32>
        %get3A_280 = arith.constant 0 : i32
        %get3A_281 = arith.index_cast %get3A_280 : i32 to index
        %get3A_282 = arith.index_cast %add3A_206 : i32 to index
        %get3A_283 = arith.constant 16 : index
        %get3A_284 = tpu.vector_load %arg13[%get3A_281, %get3A_282, %get3A_283] {strides = array<i32>} : memref<5x128x128xf32, #tpu.memory_space<vmem>>, vector<16xf32>,
        %mul3A_285 = arith.mulf %get3A_211, %get3A_284 : vector<16xf32>
        %add3A_286 = arith.addf %mul3A_279, %mul3A_285 : vector<16xf32>
        %get3A_287 = arith.constant 0 : i32
        %get3A_288 = arith.index_cast %get3A_287 : i32 to index
        %get3A_289 = arith.index_cast %add3A_206 : i32 to index
        %get3A_290 = arith.constant 32 : index
        %get3A_291 = tpu.vector_load %arg13[%get3A_288, %get3A_289, %get3A_290] {strides = array<i32>} : memref<5x128x128xf32, #tpu.memory_space<vmem>>, vector<16xf32>,
        %mul3A_292 = arith.mulf %get3A_214, %get3A_291 : vector<16xf32>
        %add3A_293 = arith.addf %add3A_286, %mul3A_292 : vector<16xf32>
        %get3A_294 = arith.constant 0 : i32
        %get3A_295 = arith.index_cast %get3A_294 : i32 to index
        %get3A_296 = arith.index_cast %add3A_206 : i32 to index
        %get3A_297 = arith.constant 48 : index
        %get3A_298 = tpu.vector_load %arg13[%get3A_295, %get3A_296, %get3A_297] {strides = array<i32>} : memref<5x128x128xf32, #tpu.memory_space<vmem>>, vector<16xf32>,
        %mul3A_299 = arith.mulf %get3A_217, %get3A_298 : vector<16xf32>
        %add3A_300 = arith.addf %add3A_293, %mul3A_299 : vector<16xf32>
        %get3A_301 = arith.constant 0 : i32
        %get3A_302 = arith.index_cast %get3A_301 : i32 to index
        %get3A_303 = arith.index_cast %add3A_206 : i32 to index
        %get3A_304 = arith.constant 64 : index
        %get3A_305 = tpu.vector_load %arg13[%get3A_302, %get3A_303, %get3A_304] {strides = array<i32>} : memref<5x128x128xf32, #tpu.memory_space<vmem>>, vector<16xf32>,
        %mul3A_306 = arith.mulf %get3A_220, %get3A_305 : vector<16xf32>
        %add3A_307 = arith.addf %add3A_300, %mul3A_306 : vector<16xf32>
        %get3A_308 = arith.constant 0 : i32
        %get3A_309 = arith.index_cast %get3A_308 : i32 to index
        %get3A_310 = arith.index_cast %add3A_206 : i32 to index
        %get3A_311 = arith.constant 80 : index
        %get3A_312 = tpu.vector_load %arg13[%get3A_309, %get3A_310, %get3A_311] {strides = array<i32>} : memref<5x128x128xf32, #tpu.memory_space<vmem>>, vector<16xf32>,
        %mul3A_313 = arith.mulf %get3A_223, %get3A_312 : vector<16xf32>
        %add3A_314 = arith.addf %add3A_307, %mul3A_313 : vector<16xf32>
        %get3A_315 = arith.constant 0 : i32
        %get3A_316 = arith.index_cast %get3A_315 : i32 to index
        %get3A_317 = arith.index_cast %add3A_206 : i32 to index
        %get3A_318 = arith.constant 96 : index
        %get3A_319 = tpu.vector_load %arg13[%get3A_316, %get3A_317, %get3A_318] {strides = array<i32>} : memref<5x128x128xf32, #tpu.memory_space<vmem>>, vector<16xf32>,
        %mul3A_320 = arith.mulf %get3A_226, %get3A_319 : vector<16xf32>
        %add3A_321 = arith.addf %add3A_314, %mul3A_320 : vector<16xf32>
        %get3A_322 = arith.constant 0 : i32
        %get3A_323 = arith.index_cast %get3A_322 : i32 to index
        %get3A_324 = arith.index_cast %add3A_206 : i32 to index
        %get3A_325 = arith.constant 112 : index
        %get3A_326 = tpu.vector_load %arg13[%get3A_323, %get3A_324, %get3A_325] {strides = array<i32>} : memref<5x128x128xf32, #tpu.memory_space<vmem>>, vector<16xf32>,
        %mul3A_327 = arith.mulf %get3A_229, %get3A_326 : vector<16xf32>
        %add3A_328 = arith.addf %add3A_321, %mul3A_327 : vector<16xf32>
        %eq3A_329 = vector.broadcast %scan3A_197 : i32 to vector<16xi32>
        %eq3A_330 = arith.cmpi eq, %iota3A, %eq3A_329 : vector<16xi32>
        %reduce_sum3A_331 = arith.constant true
        %reduce_sum3A_332 = vector.broadcast %reduce_sum3A_331 : i1 to vector<16xi1>
        %reduce_sum3A_333 = tpu.scan <sum>, %add3A_328 masked %reduce_sum3A_332 : vector<16xf32>, vector<16xi1> -> vector<16xf32>
        %reduce_sum3A_334 = vector.extract %reduce_sum3A_333[15] : f32 from vector<16xf32>
        %neg3A = arith.constant 0.000000e+00 : f32
        %neg3A_335 = arith.subf %neg3A, %reduce_sum3A_334 : f32
        %broadcast_in_dim3A_336 = vector.broadcast %neg3A_335 : f32 to vector<16xf32>
        %select_n3A_337 = arith.select %eq3A_330, %broadcast_in_dim3A_336, %scan3A_199 : vector<16xi1>, vector<16xf32>
        %get3A_338 = arith.constant 1 : i32
        %get3A_339 = arith.index_cast %get3A_338 : i32 to index
        %get3A_340 = arith.index_cast %add3A_206 : i32 to index
        %get3A_341 = arith.constant 0 : index
        %get3A_342 = tpu.vector_load %arg13[%get3A_339, %get3A_340, %get3A_341] {strides = array<i32>} : memref<5x128x128xf32, #tpu.memory_space<vmem>>, vector<16xf32>,
        %mul3A_343 = arith.mulf %get3A_208, %get3A_342 : vector<16xf32>
        %get3A_344 = arith.constant 1 : i32
        %get3A_345 = arith.index_cast %get3A_344 : i32 to index
        %get3A_346 = arith.index_cast %add3A_206 : i32 to index
        %get3A_347 = arith.constant 16 : index
        %get3A_348 = tpu.vector_load %arg13[%get3A_345, %get3A_346, %get3A_347] {strides = array<i32>} : memref<5x128x128xf32, #tpu.memory_space<vmem>>, vector<16xf32>,
        %mul3A_349 = arith.mulf %get3A_211, %get3A_348 : vector<16xf32>
        %add3A_350 = arith.addf %mul3A_343, %mul3A_349 : vector<16xf32>
        %get3A_351 = arith.constant 1 : i32
        %get3A_352 = arith.index_cast %get3A_351 : i32 to index
        %get3A_353 = arith.index_cast %add3A_206 : i32 to index
        %get3A_354 = arith.constant 32 : index
        %get3A_355 = tpu.vector_load %arg13[%get3A_352, %get3A_353, %get3A_354] {strides = array<i32>} : memref<5x128x128xf32, #tpu.memory_space<vmem>>, vector<16xf32>,
        %mul3A_356 = arith.mulf %get3A_214, %get3A_355 : vector<16xf32>
        %add3A_357 = arith.addf %add3A_350, %mul3A_356 : vector<16xf32>
        %get3A_358 = arith.constant 1 : i32
        %get3A_359 = arith.index_cast %get3A_358 : i32 to index
        %get3A_360 = arith.index_cast %add3A_206 : i32 to index
        %get3A_361 = arith.constant 48 : index
        %get3A_362 = tpu.vector_load %arg13[%get3A_359, %get3A_360, %get3A_361] {strides = array<i32>} : memref<5x128x128xf32, #tpu.memory_space<vmem>>, vector<16xf32>,
        %mul3A_363 = arith.mulf %get3A_217, %get3A_362 : vector<16xf32>
        %add3A_364 = arith.addf %add3A_357, %mul3A_363 : vector<16xf32>
        %get3A_365 = arith.constant 1 : i32
        %get3A_366 = arith.index_cast %get3A_365 : i32 to index
        %get3A_367 = arith.index_cast %add3A_206 : i32 to index
        %get3A_368 = arith.constant 64 : index
        %get3A_369 = tpu.vector_load %arg13[%get3A_366, %get3A_367, %get3A_368] {strides = array<i32>} : memref<5x128x128xf32, #tpu.memory_space<vmem>>, vector<16xf32>,
        %mul3A_370 = arith.mulf %get3A_220, %get3A_369 : vector<16xf32>
        %add3A_371 = arith.addf %add3A_364, %mul3A_370 : vector<16xf32>
        %get3A_372 = arith.constant 1 : i32
        %get3A_373 = arith.index_cast %get3A_372 : i32 to index
        %get3A_374 = arith.index_cast %add3A_206 : i32 to index
        %get3A_375 = arith.constant 80 : index
        %get3A_376 = tpu.vector_load %arg13[%get3A_373, %get3A_374, %get3A_375] {strides = array<i32>} : memref<5x128x128xf32, #tpu.memory_space<vmem>>, vector<16xf32>,
        %mul3A_377 = arith.mulf %get3A_223, %get3A_376 : vector<16xf32>
        %add3A_378 = arith.addf %add3A_371, %mul3A_377 : vector<16xf32>
        %get3A_379 = arith.constant 1 : i32
        %get3A_380 = arith.index_cast %get3A_379 : i32 to index
        %get3A_381 = arith.index_cast %add3A_206 : i32 to index
        %get3A_382 = arith.constant 96 : index
        %get3A_383 = tpu.vector_load %arg13[%get3A_380, %get3A_381, %get3A_382] {strides = array<i32>} : memref<5x128x128xf32, #tpu.memory_space<vmem>>, vector<16xf32>,
        %mul3A_384 = arith.mulf %get3A_226, %get3A_383 : vector<16xf32>
        %add3A_385 = arith.addf %add3A_378, %mul3A_384 : vector<16xf32>
        %get3A_386 = arith.constant 1 : i32
        %get3A_387 = arith.index_cast %get3A_386 : i32 to index
        %get3A_388 = arith.index_cast %add3A_206 : i32 to index
        %get3A_389 = arith.constant 112 : index
        %get3A_390 = tpu.vector_load %arg13[%get3A_387, %get3A_388, %get3A_389] {strides = array<i32>} : memref<5x128x128xf32, #tpu.memory_space<vmem>>, vector<16xf32>,
        %mul3A_391 = arith.mulf %get3A_229, %get3A_390 : vector<16xf32>
        %add3A_392 = arith.addf %add3A_385, %mul3A_391 : vector<16xf32>
        %eq3A_393 = vector.broadcast %scan3A_197 : i32 to vector<16xi32>
        %eq3A_394 = arith.cmpi eq, %iota3A, %eq3A_393 : vector<16xi32>
        %reduce_sum3A_395 = arith.constant true
        %reduce_sum3A_396 = vector.broadcast %reduce_sum3A_395 : i1 to vector<16xi1>
        %reduce_sum3A_397 = tpu.scan <sum>, %add3A_392 masked %reduce_sum3A_396 : vector<16xf32>, vector<16xi1> -> vector<16xf32>
        %reduce_sum3A_398 = vector.extract %reduce_sum3A_397[15] : f32 from vector<16xf32>
        %neg3A_399 = arith.constant 0.000000e+00 : f32
        %neg3A_400 = arith.subf %neg3A_399, %reduce_sum3A_398 : f32
        %broadcast_in_dim3A_401 = vector.broadcast %neg3A_400 : f32 to vector<16xf32>
        %select_n3A_402 = arith.select %eq3A_394, %broadcast_in_dim3A_401, %scan3A_200 : vector<16xi1>, vector<16xf32>
        %get3A_403 = arith.constant 2 : i32
        %get3A_404 = arith.index_cast %get3A_403 : i32 to index
        %get3A_405 = arith.index_cast %add3A_206 : i32 to index
        %get3A_406 = arith.constant 0 : index
        %get3A_407 = tpu.vector_load %arg13[%get3A_404, %get3A_405, %get3A_406] {strides = array<i32>} : memref<5x128x128xf32, #tpu.memory_space<vmem>>, vector<16xf32>,
        %mul3A_408 = arith.mulf %get3A_208, %get3A_407 : vector<16xf32>
        %get3A_409 = arith.constant 2 : i32
        %get3A_410 = arith.index_cast %get3A_409 : i32 to index
        %get3A_411 = arith.index_cast %add3A_206 : i32 to index
        %get3A_412 = arith.constant 16 : index
        %get3A_413 = tpu.vector_load %arg13[%get3A_410, %get3A_411, %get3A_412] {strides = array<i32>} : memref<5x128x128xf32, #tpu.memory_space<vmem>>, vector<16xf32>,
        %mul3A_414 = arith.mulf %get3A_211, %get3A_413 : vector<16xf32>
        %add3A_415 = arith.addf %mul3A_408, %mul3A_414 : vector<16xf32>
        %get3A_416 = arith.constant 2 : i32
        %get3A_417 = arith.index_cast %get3A_416 : i32 to index
        %get3A_418 = arith.index_cast %add3A_206 : i32 to index
        %get3A_419 = arith.constant 32 : index
        %get3A_420 = tpu.vector_load %arg13[%get3A_417, %get3A_418, %get3A_419] {strides = array<i32>} : memref<5x128x128xf32, #tpu.memory_space<vmem>>, vector<16xf32>,
        %mul3A_421 = arith.mulf %get3A_214, %get3A_420 : vector<16xf32>
        %add3A_422 = arith.addf %add3A_415, %mul3A_421 : vector<16xf32>
        %get3A_423 = arith.constant 2 : i32
        %get3A_424 = arith.index_cast %get3A_423 : i32 to index
        %get3A_425 = arith.index_cast %add3A_206 : i32 to index
        %get3A_426 = arith.constant 48 : index
        %get3A_427 = tpu.vector_load %arg13[%get3A_424, %get3A_425, %get3A_426] {strides = array<i32>} : memref<5x128x128xf32, #tpu.memory_space<vmem>>, vector<16xf32>,
        %mul3A_428 = arith.mulf %get3A_217, %get3A_427 : vector<16xf32>
        %add3A_429 = arith.addf %add3A_422, %mul3A_428 : vector<16xf32>
        %get3A_430 = arith.constant 2 : i32
        %get3A_431 = arith.index_cast %get3A_430 : i32 to index
        %get3A_432 = arith.index_cast %add3A_206 : i32 to index
        %get3A_433 = arith.constant 64 : index
        %get3A_434 = tpu.vector_load %arg13[%get3A_431, %get3A_432, %get3A_433] {strides = array<i32>} : memref<5x128x128xf32, #tpu.memory_space<vmem>>, vector<16xf32>,
        %mul3A_435 = arith.mulf %get3A_220, %get3A_434 : vector<16xf32>
        %add3A_436 = arith.addf %add3A_429, %mul3A_435 : vector<16xf32>
        %get3A_437 = arith.constant 2 : i32
        %get3A_438 = arith.index_cast %get3A_437 : i32 to index
        %get3A_439 = arith.index_cast %add3A_206 : i32 to index
        %get3A_440 = arith.constant 80 : index
        %get3A_441 = tpu.vector_load %arg13[%get3A_438, %get3A_439, %get3A_440] {strides = array<i32>} : memref<5x128x128xf32, #tpu.memory_space<vmem>>, vector<16xf32>,
        %mul3A_442 = arith.mulf %get3A_223, %get3A_441 : vector<16xf32>
        %add3A_443 = arith.addf %add3A_436, %mul3A_442 : vector<16xf32>
        %get3A_444 = arith.constant 2 : i32
        %get3A_445 = arith.index_cast %get3A_444 : i32 to index
        %get3A_446 = arith.index_cast %add3A_206 : i32 to index
        %get3A_447 = arith.constant 96 : index
        %get3A_448 = tpu.vector_load %arg13[%get3A_445, %get3A_446, %get3A_447] {strides = array<i32>} : memref<5x128x128xf32, #tpu.memory_space<vmem>>, vector<16xf32>,
        %mul3A_449 = arith.mulf %get3A_226, %get3A_448 : vector<16xf32>
        %add3A_450 = arith.addf %add3A_443, %mul3A_449 : vector<16xf32>
        %get3A_451 = arith.constant 2 : i32
        %get3A_452 = arith.index_cast %get3A_451 : i32 to index
        %get3A_453 = arith.index_cast %add3A_206 : i32 to index
        %get3A_454 = arith.constant 112 : index
        %get3A_455 = tpu.vector_load %arg13[%get3A_452, %get3A_453, %get3A_454] {strides = array<i32>} : memref<5x128x128xf32, #tpu.memory_space<vmem>>, vector<16xf32>,
        %mul3A_456 = arith.mulf %get3A_229, %get3A_455 : vector<16xf32>
        %add3A_457 = arith.addf %add3A_450, %mul3A_456 : vector<16xf32>
        %eq3A_458 = vector.broadcast %scan3A_197 : i32 to vector<16xi32>
        %eq3A_459 = arith.cmpi eq, %iota3A, %eq3A_458 : vector<16xi32>
        %reduce_sum3A_460 = arith.constant true
        %reduce_sum3A_461 = vector.broadcast %reduce_sum3A_460 : i1 to vector<16xi1>
        %reduce_sum3A_462 = tpu.scan <sum>, %add3A_457 masked %reduce_sum3A_461 : vector<16xf32>, vector<16xi1> -> vector<16xf32>
        %reduce_sum3A_463 = vector.extract %reduce_sum3A_462[15] : f32 from vector<16xf32>
        %neg3A_464 = arith.constant 0.000000e+00 : f32
        %neg3A_465 = arith.subf %neg3A_464, %reduce_sum3A_463 : f32
        %broadcast_in_dim3A_466 = vector.broadcast %neg3A_465 : f32 to vector<16xf32>
        %select_n3A_467 = arith.select %eq3A_459, %broadcast_in_dim3A_466, %scan3A_201 : vector<16xi1>, vector<16xf32>
        %get3A_468 = arith.constant 3 : i32
        %get3A_469 = arith.index_cast %get3A_468 : i32 to index
        %get3A_470 = arith.index_cast %add3A_206 : i32 to index
        %get3A_471 = arith.constant 0 : index
        %get3A_472 = tpu.vector_load %arg13[%get3A_469, %get3A_470, %get3A_471] {strides = array<i32>} : memref<5x128x128xf32, #tpu.memory_space<vmem>>, vector<16xf32>,
        %mul3A_473 = arith.mulf %get3A_208, %get3A_472 : vector<16xf32>
        %get3A_474 = arith.constant 3 : i32
        %get3A_475 = arith.index_cast %get3A_474 : i32 to index
        %get3A_476 = arith.index_cast %add3A_206 : i32 to index
        %get3A_477 = arith.constant 16 : index
        %get3A_478 = tpu.vector_load %arg13[%get3A_475, %get3A_476, %get3A_477] {strides = array<i32>} : memref<5x128x128xf32, #tpu.memory_space<vmem>>, vector<16xf32>,
        %mul3A_479 = arith.mulf %get3A_211, %get3A_478 : vector<16xf32>
        %add3A_480 = arith.addf %mul3A_473, %mul3A_479 : vector<16xf32>
        %get3A_481 = arith.constant 3 : i32
        %get3A_482 = arith.index_cast %get3A_481 : i32 to index
        %get3A_483 = arith.index_cast %add3A_206 : i32 to index
        %get3A_484 = arith.constant 32 : index
        %get3A_485 = tpu.vector_load %arg13[%get3A_482, %get3A_483, %get3A_484] {strides = array<i32>} : memref<5x128x128xf32, #tpu.memory_space<vmem>>, vector<16xf32>,
        %mul3A_486 = arith.mulf %get3A_214, %get3A_485 : vector<16xf32>
        %add3A_487 = arith.addf %add3A_480, %mul3A_486 : vector<16xf32>
        %get3A_488 = arith.constant 3 : i32
        %get3A_489 = arith.index_cast %get3A_488 : i32 to index
        %get3A_490 = arith.index_cast %add3A_206 : i32 to index
        %get3A_491 = arith.constant 48 : index
        %get3A_492 = tpu.vector_load %arg13[%get3A_489, %get3A_490, %get3A_491] {strides = array<i32>} : memref<5x128x128xf32, #tpu.memory_space<vmem>>, vector<16xf32>,
        %mul3A_493 = arith.mulf %get3A_217, %get3A_492 : vector<16xf32>
        %add3A_494 = arith.addf %add3A_487, %mul3A_493 : vector<16xf32>
        %get3A_495 = arith.constant 3 : i32
        %get3A_496 = arith.index_cast %get3A_495 : i32 to index
        %get3A_497 = arith.index_cast %add3A_206 : i32 to index
        %get3A_498 = arith.constant 64 : index
        %get3A_499 = tpu.vector_load %arg13[%get3A_496, %get3A_497, %get3A_498] {strides = array<i32>} : memref<5x128x128xf32, #tpu.memory_space<vmem>>, vector<16xf32>,
        %mul3A_500 = arith.mulf %get3A_220, %get3A_499 : vector<16xf32>
        %add3A_501 = arith.addf %add3A_494, %mul3A_500 : vector<16xf32>
        %get3A_502 = arith.constant 3 : i32
        %get3A_503 = arith.index_cast %get3A_502 : i32 to index
        %get3A_504 = arith.index_cast %add3A_206 : i32 to index
        %get3A_505 = arith.constant 80 : index
        %get3A_506 = tpu.vector_load %arg13[%get3A_503, %get3A_504, %get3A_505] {strides = array<i32>} : memref<5x128x128xf32, #tpu.memory_space<vmem>>, vector<16xf32>,
        %mul3A_507 = arith.mulf %get3A_223, %get3A_506 : vector<16xf32>
        %add3A_508 = arith.addf %add3A_501, %mul3A_507 : vector<16xf32>
        %get3A_509 = arith.constant 3 : i32
        %get3A_510 = arith.index_cast %get3A_509 : i32 to index
        %get3A_511 = arith.index_cast %add3A_206 : i32 to index
        %get3A_512 = arith.constant 96 : index
        %get3A_513 = tpu.vector_load %arg13[%get3A_510, %get3A_511, %get3A_512] {strides = array<i32>} : memref<5x128x128xf32, #tpu.memory_space<vmem>>, vector<16xf32>,
        %mul3A_514 = arith.mulf %get3A_226, %get3A_513 : vector<16xf32>
        %add3A_515 = arith.addf %add3A_508, %mul3A_514 : vector<16xf32>
        %get3A_516 = arith.constant 3 : i32
        %get3A_517 = arith.index_cast %get3A_516 : i32 to index
        %get3A_518 = arith.index_cast %add3A_206 : i32 to index
        %get3A_519 = arith.constant 112 : index
        %get3A_520 = tpu.vector_load %arg13[%get3A_517, %get3A_518, %get3A_519] {strides = array<i32>} : memref<5x128x128xf32, #tpu.memory_space<vmem>>, vector<16xf32>,
        %mul3A_521 = arith.mulf %get3A_229, %get3A_520 : vector<16xf32>
        %add3A_522 = arith.addf %add3A_515, %mul3A_521 : vector<16xf32>
        %eq3A_523 = vector.broadcast %scan3A_197 : i32 to vector<16xi32>
        %eq3A_524 = arith.cmpi eq, %iota3A, %eq3A_523 : vector<16xi32>
        %reduce_sum3A_525 = arith.constant true
        %reduce_sum3A_526 = vector.broadcast %reduce_sum3A_525 : i1 to vector<16xi1>
        %reduce_sum3A_527 = tpu.scan <sum>, %add3A_522 masked %reduce_sum3A_526 : vector<16xf32>, vector<16xi1> -> vector<16xf32>
        %reduce_sum3A_528 = vector.extract %reduce_sum3A_527[15] : f32 from vector<16xf32>
        %neg3A_529 = arith.constant 0.000000e+00 : f32
        %neg3A_530 = arith.subf %neg3A_529, %reduce_sum3A_528 : f32
        %broadcast_in_dim3A_531 = vector.broadcast %neg3A_530 : f32 to vector<16xf32>
        %select_n3A_532 = arith.select %eq3A_524, %broadcast_in_dim3A_531, %scan3A_202 : vector<16xi1>, vector<16xf32>
        %get3A_533 = arith.constant 4 : i32
        %get3A_534 = arith.index_cast %get3A_533 : i32 to index
        %get3A_535 = arith.index_cast %add3A_206 : i32 to index
        %get3A_536 = arith.constant 0 : index
        %get3A_537 = tpu.vector_load %arg13[%get3A_534, %get3A_535, %get3A_536] {strides = array<i32>} : memref<5x128x128xf32, #tpu.memory_space<vmem>>, vector<16xf32>,
        %mul3A_538 = arith.mulf %get3A_208, %get3A_537 : vector<16xf32>
        %get3A_539 = arith.constant 4 : i32
        %get3A_540 = arith.index_cast %get3A_539 : i32 to index
        %get3A_541 = arith.index_cast %add3A_206 : i32 to index
        %get3A_542 = arith.constant 16 : index
        %get3A_543 = tpu.vector_load %arg13[%get3A_540, %get3A_541, %get3A_542] {strides = array<i32>} : memref<5x128x128xf32, #tpu.memory_space<vmem>>, vector<16xf32>,
        %mul3A_544 = arith.mulf %get3A_211, %get3A_543 : vector<16xf32>
        %add3A_545 = arith.addf %mul3A_538, %mul3A_544 : vector<16xf32>
        %get3A_546 = arith.constant 4 : i32
        %get3A_547 = arith.index_cast %get3A_546 : i32 to index
        %get3A_548 = arith.index_cast %add3A_206 : i32 to index
        %get3A_549 = arith.constant 32 : index
        %get3A_550 = tpu.vector_load %arg13[%get3A_547, %get3A_548, %get3A_549] {strides = array<i32>} : memref<5x128x128xf32, #tpu.memory_space<vmem>>, vector<16xf32>,
        %mul3A_551 = arith.mulf %get3A_214, %get3A_550 : vector<16xf32>
        %add3A_552 = arith.addf %add3A_545, %mul3A_551 : vector<16xf32>
        %get3A_553 = arith.constant 4 : i32
        %get3A_554 = arith.index_cast %get3A_553 : i32 to index
        %get3A_555 = arith.index_cast %add3A_206 : i32 to index
        %get3A_556 = arith.constant 48 : index
        %get3A_557 = tpu.vector_load %arg13[%get3A_554, %get3A_555, %get3A_556] {strides = array<i32>} : memref<5x128x128xf32, #tpu.memory_space<vmem>>, vector<16xf32>,
        %mul3A_558 = arith.mulf %get3A_217, %get3A_557 : vector<16xf32>
        %add3A_559 = arith.addf %add3A_552, %mul3A_558 : vector<16xf32>
        %get3A_560 = arith.constant 4 : i32
        %get3A_561 = arith.index_cast %get3A_560 : i32 to index
        %get3A_562 = arith.index_cast %add3A_206 : i32 to index
        %get3A_563 = arith.constant 64 : index
        %get3A_564 = tpu.vector_load %arg13[%get3A_561, %get3A_562, %get3A_563] {strides = array<i32>} : memref<5x128x128xf32, #tpu.memory_space<vmem>>, vector<16xf32>,
        %mul3A_565 = arith.mulf %get3A_220, %get3A_564 : vector<16xf32>
        %add3A_566 = arith.addf %add3A_559, %mul3A_565 : vector<16xf32>
        %get3A_567 = arith.constant 4 : i32
        %get3A_568 = arith.index_cast %get3A_567 : i32 to index
        %get3A_569 = arith.index_cast %add3A_206 : i32 to index
        %get3A_570 = arith.constant 80 : index
        %get3A_571 = tpu.vector_load %arg13[%get3A_568, %get3A_569, %get3A_570] {strides = array<i32>} : memref<5x128x128xf32, #tpu.memory_space<vmem>>, vector<16xf32>,
        %mul3A_572 = arith.mulf %get3A_223, %get3A_571 : vector<16xf32>
        %add3A_573 = arith.addf %add3A_566, %mul3A_572 : vector<16xf32>
        %get3A_574 = arith.constant 4 : i32
        %get3A_575 = arith.index_cast %get3A_574 : i32 to index
        %get3A_576 = arith.index_cast %add3A_206 : i32 to index
        %get3A_577 = arith.constant 96 : index
        %get3A_578 = tpu.vector_load %arg13[%get3A_575, %get3A_576, %get3A_577] {strides = array<i32>} : memref<5x128x128xf32, #tpu.memory_space<vmem>>, vector<16xf32>,
        %mul3A_579 = arith.mulf %get3A_226, %get3A_578 : vector<16xf32>
        %add3A_580 = arith.addf %add3A_573, %mul3A_579 : vector<16xf32>
        %get3A_581 = arith.constant 4 : i32
        %get3A_582 = arith.index_cast %get3A_581 : i32 to index
        %get3A_583 = arith.index_cast %add3A_206 : i32 to index
        %get3A_584 = arith.constant 112 : index
        %get3A_585 = tpu.vector_load %arg13[%get3A_582, %get3A_583, %get3A_584] {strides = array<i32>} : memref<5x128x128xf32, #tpu.memory_space<vmem>>, vector<16xf32>,
        %mul3A_586 = arith.mulf %get3A_229, %get3A_585 : vector<16xf32>
        %add3A_587 = arith.addf %add3A_580, %mul3A_586 : vector<16xf32>
        %eq3A_588 = vector.broadcast %scan3A_197 : i32 to vector<16xi32>
        %eq3A_589 = arith.cmpi eq, %iota3A, %eq3A_588 : vector<16xi32>
        %reduce_sum3A_590 = arith.constant true
        %reduce_sum3A_591 = vector.broadcast %reduce_sum3A_590 : i1 to vector<16xi1>
        %reduce_sum3A_592 = tpu.scan <sum>, %add3A_587 masked %reduce_sum3A_591 : vector<16xf32>, vector<16xi1> -> vector<16xf32>
        %reduce_sum3A_593 = vector.extract %reduce_sum3A_592[15] : f32 from vector<16xf32>
        %neg3A_594 = arith.constant 0.000000e+00 : f32
        %neg3A_595 = arith.subf %neg3A_594, %reduce_sum3A_593 : f32
        %broadcast_in_dim3A_596 = vector.broadcast %neg3A_595 : f32 to vector<16xf32>
        %select_n3A_597 = arith.select %eq3A_589, %broadcast_in_dim3A_596, %scan3A_203 : vector<16xi1>, vector<16xf32>
        scf.yield %select_n3A, %select_n3A_337, %select_n3A_402, %select_n3A_467, %select_n3A_532, %select_n3A_597 : vector<16xf32>, vector<16xf32>, vector<16xf32>, vector<16xf32>, vector<16xf32>, vector<16xf32>
      }
      %scan3A_161 = arith.constant 16 : i32
      %mul3A_162 = arith.constant 16 : i32
      %mul3A_163 = arith.muli %scan3A_155, %mul3A_162 : i32
      %add3A_164 = arith.constant 0 : i32
      %add3A_165 = arith.addi %add3A_164, %mul3A_163 : i32
      %swap3A = arith.index_cast %add3A_165 : i32 to index
      %swap3A_166 = tpu.vector_load %arg14[%swap3A] {strides = array<i32>} : memref<768xf32, #tpu.memory_space<vmem>>, vector<16xf32>,
      tpu.vector_store %arg14[%swap3A], %scan3A_160#0 {strides = array<i32>} : memref<768xf32, #tpu.memory_space<vmem>>, vector<16xf32>,
      %mul3A_167 = arith.constant 16 : i32
      %mul3A_168 = arith.muli %scan3A_155, %mul3A_167 : i32
      %add3A_169 = arith.constant 128 : i32
      %add3A_170 = arith.addi %add3A_169, %mul3A_168 : i32
      %swap3A_171 = arith.index_cast %add3A_170 : i32 to index
      %swap3A_172 = tpu.vector_load %arg14[%swap3A_171] {strides = array<i32>} : memref<768xf32, #tpu.memory_space<vmem>>, vector<16xf32>,
      tpu.vector_store %arg14[%swap3A_171], %scan3A_160#1 {strides = array<i32>} : memref<768xf32, #tpu.memory_space<vmem>>, vector<16xf32>,
      %mul3A_173 = arith.constant 16 : i32
      %mul3A_174 = arith.muli %scan3A_155, %mul3A_173 : i32
      %add3A_175 = arith.constant 256 : i32
      %add3A_176 = arith.addi %add3A_175, %mul3A_174 : i32
      %swap3A_177 = arith.index_cast %add3A_176 : i32 to index
      %swap3A_178 = tpu.vector_load %arg14[%swap3A_177] {strides = array<i32>} : memref<768xf32, #tpu.memory_space<vmem>>, vector<16xf32>,
      tpu.vector_store %arg14[%swap3A_177], %scan3A_160#2 {strides = array<i32>} : memref<768xf32, #tpu.memory_space<vmem>>, vector<16xf32>,
      %mul3A_179 = arith.constant 16 : i32
      %mul3A_180 = arith.muli %scan3A_155, %mul3A_179 : i32
      %add3A_181 = arith.constant 384 : i32
      %add3A_182 = arith.addi %add3A_181, %mul3A_180 : i32
      %swap3A_183 = arith.index_cast %add3A_182 : i32 to index
      %swap3A_184 = tpu.vector_load %arg14[%swap3A_183] {strides = array<i32>} : memref<768xf32, #tpu.memory_space<vmem>>, vector<16xf32>,
      tpu.vector_store %arg14[%swap3A_183], %scan3A_160#3 {strides = array<i32>} : memref<768xf32, #tpu.memory_space<vmem>>, vector<16xf32>,
      %mul3A_185 = arith.constant 16 : i32
      %mul3A_186 = arith.muli %scan3A_155, %mul3A_185 : i32
      %add3A_187 = arith.constant 512 : i32
      %add3A_188 = arith.addi %add3A_187, %mul3A_186 : i32
      %swap3A_189 = arith.index_cast %add3A_188 : i32 to index
      %swap3A_190 = tpu.vector_load %arg14[%swap3A_189] {strides = array<i32>} : memref<768xf32, #tpu.memory_space<vmem>>, vector<16xf32>,
      tpu.vector_store %arg14[%swap3A_189], %scan3A_160#4 {strides = array<i32>} : memref<768xf32, #tpu.memory_space<vmem>>, vector<16xf32>,
      %mul3A_191 = arith.constant 16 : i32
      %mul3A_192 = arith.muli %scan3A_155, %mul3A_191 : i32
      %add3A_193 = arith.constant 640 : i32
      %add3A_194 = arith.addi %add3A_193, %mul3A_192 : i32
      %swap3A_195 = arith.index_cast %add3A_194 : i32 to index
      %swap3A_196 = tpu.vector_load %arg14[%swap3A_195] {strides = array<i32>} : memref<768xf32, #tpu.memory_space<vmem>>, vector<16xf32>,
      tpu.vector_store %arg14[%swap3A_195], %scan3A_160#5 {strides = array<i32>} : memref<768xf32, #tpu.memory_space<vmem>>, vector<16xf32>,
    }
    %scan3A_152 = arith.constant 8 : i32
    %mul3A_153 = arith.constant 768 : i32
    %mul3A_154 = arith.muli %add3A, %mul3A_153 : i32
    "tpu.region"() ({
      %run_scoped3A_155 = tpu.sem_alloc : memref<!tpu.dma_semaphore, #tpu.memory_space<semaphore_mem>>
      %dma_start3A_156 = tpu.memref_slice %arg7[%mul3A_154] : memref<24576xf32, #tpu.memory_space<hbm>> -> memref<768xf32, #tpu.memory_space<hbm>>
      %dma_start3A_157 = tpu.memref_slice %arg7[%mul3A_154] : memref<24576xf32, #tpu.memory_space<hbm>> -> memref<768xf32, #tpu.memory_space<hbm>>
      tpu.enqueue_dma source(%arg14 : memref<768xf32, #tpu.memory_space<vmem>>) target(%dma_start3A_157 : memref<768xf32, #tpu.memory_space<hbm>>) target_semaphore(%run_scoped3A_155 : memref<!tpu.dma_semaphore, #tpu.memory_space<semaphore_mem>>)
      %dma_wait3A_158 = tpu.memref_slice %arg7[%mul3A_154] : memref<24576xf32, #tpu.memory_space<hbm>> -> memref<768xf32, #tpu.memory_space<hbm>>
      %dma_wait3A_159 = tpu.memref_slice %arg7[%mul3A_154] : memref<24576xf32, #tpu.memory_space<hbm>> -> memref<768xf32, #tpu.memory_space<hbm>>
      tpu.wait_dma2 semaphore(%run_scoped3A_155 : memref<!tpu.dma_semaphore, #tpu.memory_space<semaphore_mem>>) src(%arg14 : memref<768xf32, #tpu.memory_space<vmem>>) dst(%dma_wait3A_159 : memref<768xf32, #tpu.memory_space<hbm>>)
      tpu.yield
    }) : () -> ()
    return
  }
}

module attributes {stable_mosaic.version = 14 : i64} {
  func.func @_tc_loss_body(%arg0: memref<192x128xf32, #tpu.memory_space<vmem>>, %arg1: memref<1x1xf32, #tpu.memory_space<smem>>) attributes {dimension_semantics = [], scalar_prefetch = 0 : i64, scratch_operands = 0 : i64, tpu.core_type = #tpu.core_type<tc>} {
    %get3A = arith.constant 0 : index
    %get3A_0 = arith.constant 0 : index
    %get3A_1 = vector.load %arg0[%get3A, %get3A_0] : memref<192x128xf32, #tpu.memory_space<vmem>>, vector<192x128xf32>
    %neg3A = arith.constant 0.000000e+00 : f32
    %neg3A_2 = vector.broadcast %neg3A : f32 to vector<192x128xf32>
    %neg3A_3 = arith.subf %neg3A_2, %get3A_1 : vector<192x128xf32>
    %max3A = arith.constant 0.000000e+00 : f32
    %max3A_4 = vector.broadcast %max3A : f32 to vector<192x128xf32>
    %max3A_5 = arith.maximumf %neg3A_3, %max3A_4 : vector<192x128xf32>
    %abs3A = math.absf %neg3A_3 : vector<192x128xf32>
    %neg3A_6 = arith.constant 0.000000e+00 : f32
    %neg3A_7 = vector.broadcast %neg3A_6 : f32 to vector<192x128xf32>
    %neg3A_8 = arith.subf %neg3A_7, %abs3A : vector<192x128xf32>
    %exp3A = math.exp %neg3A_8 : vector<192x128xf32>
    %add3A = arith.constant 1.000000e+00 : f32
    %add3A_9 = vector.broadcast %add3A : f32 to vector<192x128xf32>
    %add3A_10 = arith.addf %add3A_9, %exp3A : vector<192x128xf32>
    %log3A = math.log %add3A_10 : vector<192x128xf32>
    %add3A_11 = arith.addf %max3A_5, %log3A : vector<192x128xf32>
    %reduce_sum3A = vector.shape_cast %add3A_11 : vector<192x128xf32> to vector<1x192x128xf32>
    %reduce_sum3A_12 = arith.constant dense<0.000000e+00> : vector<1xf32>
    %reduce_sum3A_13 = vector.multi_reduction <add>, %reduce_sum3A, %reduce_sum3A_12 [1, 2] : vector<1x192x128xf32> to vector<1xf32>
    %reduce_sum3A_14 = vector.shape_cast %reduce_sum3A_13 : vector<1xf32> to vector<1x1x1xf32>
    %reduce_sum3A_15 = vector.extract %reduce_sum3A_14[0, 0, 0] : f32 from vector<1x1x1xf32>
    %div3A = arith.constant 2.457600e+04 : f32
    %div3A_16 = arith.divf %reduce_sum3A_15, %div3A : f32
    %swap3A = arith.constant 0 : index
    %swap3A_17 = arith.constant 0 : index
    %swap3A_18 = memref.load %arg1[%swap3A, %swap3A_17] : memref<1x1xf32, #tpu.memory_space<smem>>
    memref.store %div3A_16, %arg1[%swap3A, %swap3A_17] : memref<1x1xf32, #tpu.memory_space<smem>>
    return
  }
}

</mosaic_0001>

<sc_bundles>
// kernel: kernel.4.cloned.1.call-start
scs
__scs_entry_jumppad:
0x0: {  	(pc) =	sbr.rel $0x88, $3  }
0x1: {  	(tag) =	ssettag $0x0;
	lr =	simm.s32 $0x1  }
0x2: {  	[smem:$0x3F9C] =	sst lr;
	_ =	strace $0xD0000000  }
0x3: {  	_ = 	snop  }
0x4: {  	_ = 	snop  }
0x5: {  	_ = 	snop  }
0x6: {  	_ = 	snop  }
0x7: {  	_ = 	snop  }
__scs_overlays_trampoline_lowered:
0x8: {  	[smem:$0x3FAB] =	sst s0  }
0x9: {  	[smem:$0x3FAC] =	sst s1  }
0xa: {  	[smem:$0x3FAD] =	sst s2  }
0xb: {  	[smem:$0x3FAE] =	sst s3  }
0xc: {  	[smem:$0x3FAF] =	sst s4  }
0xd: {  	[smem:$0x3FB0] =	sst s5  }
0xe: {  	[smem:$0x3FB1] =	sst s6  }
0xf: {  	[smem:$0x3FB2] =	sst s7  }
0x10: {  	[smem:$0x3FB3] =	sst s8  }
0x11: {  	[smem:$0x3FB4] =	sst s9;
	s0 =	simm.s32 @!p0 $0x0  }
0x12: {  	s1 =	sld [smem:$0x3F9A];
	s0 =	simm.s32 @p0 $0x1  }
0x13: {  	[smem:$0x3FB5] =	sst s0;
	s0 =	simm.s32 @!p1 $0x0  }
0x14: {  	s2 =	sld [smem:$0x3F99];
	s0 =	simm.s32 @p1 $0x1  }
0x15: {  	[smem:$0x3FB6] =	sst s0;
	s0 =	simm.s32 @!p2 $0x0  }
0x16: {  	s3 =	sld [smem:$0x3FDB];
	s0 =	simm.s32 @p2 $0x1  }
0x17: {  	s4 =	simm.s32 $0x1BF5;
	[smem:$0x3FB8] =	sst s0  }
0x18: {  	s0 =	sld [smem:$0x3F9B];
	_ =	swait.ge [sflag:s4], $0x0  }
0x19: {  	s7 =	sld [smem:$0x3F9C]  }
0x1a: {  	s8 =	sadd.s32 $0xFFFFE003, lr  }
0x1b: {  	s9 =	sadd.s32 $0xFFFFFEF7, lr;
	s5 =	simm.s32 $0xFFFFFFFF;
	p2 =	slt.u32 s8, $0xFFFFF086  }
0x1c: {  	p1 =	slt.u32 s9, $0xF7A;
	s5 =	simm.s32 @!p2 $0x0  }
0x1d: {  	s5 =	simm.s32 @p1 $0x1;
	p0 =	seq.s32 s7, s2  }
0x1e: {  	s7 =	smul.u32 @!p0 $0xF7A, s2;
	p2 =	seq.s32 @!p0 s5, $0x0  }
0x1f: {  	s9 =	smul.u32 $0xF7A, s1;
	s8 =	simm.s32 @!p0 $0x1BF5;
	p2 =	por !p2, p0  }
0x20: {  	[sflag:s8] =	ssyncset.s32 @!p0 $0xFFFFF086;
	s6 =	sadd.s32 @!p0 s3, s7;
	s7 =	simm.s32 @!p0 $0x108  }
0x21: {  	s3 =	sadd.s32 s3, s9;
	s6 =	sadd.s32 @!p0 $0x88, s6;
	s7 =	simm.s32 @p2 $0x1082  }
0x22: {  	[simem:s7], [sflag:s8] =	dma.local @!p0 [hbm:s6], $0xF7A  }
0x23: {  	s9 =	sor.u32 $0xD0000000, s2;
	s6 =	simm.s32 $0x108;
	_ =	swait.ge @!p0 [sflag:s8], $0x0  }
0x24: {  	s3 =	sadd.s32 $0x88, s3;
	s6 =	simm.s32 @!p1 $0x1082;
	[sflag:s4] =	ssyncset.s32 $0xFFFFF086  }
0x25: {  	[simem:s6], [sflag:s4] =	dma.local [hbm:s3], $0xF7A  }
0x26: {  	[smem:$0x3F9C] =	sst s1;
	(tag) =	ssettag s2;
	_ =	strace s9  }
0x27: {  	s1 =	sld [smem:$0x3FAC]  }
0x28: {  	s2 =	sld [smem:$0x3FAD]  }
0x29: {  	s4 =	sld [smem:$0x3FAF]  }
0x2a: {  	p0 =	seq.s32 s5, $0x0;
	s5 =	sld [smem:$0x3FB0]  }
0x2b: {  	s6 =	sld [smem:$0x3FB1]  }
0x2c: {  	s7 =	sld [smem:$0x3FB2]  }
0x2d: {  	s3 =	simm.s32 $0x108;
	s8 =	sld [smem:$0x3FB3]  }
0x2e: {  	s3 =	simm.s32 @!p0 $0x1082;
	s9 =	sld [smem:$0x3FB4]  }
0x2f: {  	lr =	sadd.s32 s0, s3;
	s0 =	sld [smem:$0x3FAB]  }
0x30: {  	s3 =	sld [smem:$0x3FAE]  }
0x31: {  	[smem:$0x3FB7] =	sst s10  }
0x32: {  	s10 =	sld [smem:$0x3FB5];
	_ =	sdelay $0x3  }
0x33: {  	p0 =	seq.s32 s10, $0x1;
	s10 =	sld [smem:$0x3FB7];
	_ =	sdelay $0x3  }
0x34: {  	[smem:$0x3FB7] =	sst s10  }
0x35: {  	s10 =	sld [smem:$0x3FB6];
	_ =	sdelay $0x3  }
0x36: {  	p1 =	seq.s32 s10, $0x1;
	s10 =	sld [smem:$0x3FB7];
	_ =	sdelay $0x3  }
0x37: {  	[smem:$0x3FB7] =	sst s10  }
0x38: {  	s10 =	sld [smem:$0x3FB8]  }
0x39: {  	_ = 	snop;
	(pc) =	sbr.ind lr, $3  }
0x3a: {  	_ = 	snop  }
0x3b: {  	_ = 	snop  }
0x3c: {  	p2 =	seq.s32 s10, $0x1;
	s10 =	sld [smem:$0x3FB7]  }
0x3d: {  	_ =	shalt  }
0x3e: {  	_ =	shalt  }
0x3f: {  	_ =	shalt  }
0x40: {  	_ =	shalt  }
0x41: {  	_ =	shalt  }
0x42: {  	_ =	shalt  }
0x43: {  	_ =	shalt  }
0x44: {  	_ =	shalt  }
0x45: {  	_ =	shalt  }
0x46: {  	_ =	shalt  }
0x47: {  	_ =	shalt  }
0x48: {  	_ =	shalt  }
0x49: {  	_ =	shalt  }
0x4a: {  	_ =	shalt  }
0x4b: {  	_ =	shalt  }
0x4c: {  	_ =	shalt  }
0x4d: {  	_ =	shalt  }
0x4e: {  	_ =	shalt  }
0x4f: {  	_ =	shalt  }
0x50: {  	_ =	shalt  }
0x51: {  	_ =	shalt  }
0x52: {  	_ =	shalt  }
0x53: {  	_ =	shalt  }
0x54: {  	_ =	shalt  }
0x55: {  	_ =	shalt  }
0x56: {  	_ =	shalt  }
0x57: {  	_ =	shalt  }
0x58: {  	_ =	shalt  }
0x59: {  	_ =	shalt  }
0x5a: {  	_ =	shalt  }
0x5b: {  	_ =	shalt  }
0x5c: {  	_ =	shalt  }
0x5d: {  	_ =	shalt  }
0x5e: {  	_ =	shalt  }
0x5f: {  	_ =	shalt  }
0x60: {  	_ =	shalt  }
0x61: {  	_ =	shalt  }
0x62: {  	_ =	shalt  }
0x63: {  	_ =	shalt  }
0x64: {  	_ =	shalt  }
0x65: {  	_ =	shalt  }
0x66: {  	_ =	shalt  }
0x67: {  	_ =	shalt  }
0x68: {  	_ =	shalt  }
0x69: {  	_ =	shalt  }
0x6a: {  	_ =	shalt  }
0x6b: {  	_ =	shalt  }
0x6c: {  	_ =	shalt  }
0x6d: {  	_ =	shalt  }
0x6e: {  	_ =	shalt  }
0x6f: {  	_ =	shalt  }
0x70: {  	_ =	shalt  }
0x71: {  	_ =	shalt  }
0x72: {  	_ =	shalt  }
0x73: {  	_ =	shalt  }
0x74: {  	_ =	shalt  }
0x75: {  	_ =	shalt  }
0x76: {  	_ =	shalt  }
0x77: {  	_ =	shalt  }
0x78: {  	_ =	shalt  }
0x79: {  	_ =	shalt  }
0x7a: {  	_ =	shalt  }
0x7b: {  	_ =	shalt  }
0x7c: {  	_ =	shalt  }
0x7d: {  	_ =	shalt  }
0x7e: {  	_ =	shalt  }
0x7f: {  	_ =	shalt  }
0x80: {  	_ =	shalt  }
0x81: {  	_ =	shalt  }
0x82: {  	_ =	shalt  }
0x83: {  	_ =	shalt  }
0x84: {  	_ =	shalt  }
0x85: {  	_ =	shalt  }
0x86: {  	_ =	shalt  }
0x87: {  	_ =	shalt  }
.Lfunc_end0:
.L_simem_size_0:
called_computation_lowered:
.L_overlay_start_0:
0x88: {  	s2 =	sld [smem:$0x3FD9]  }
0x89: {  	s3 =	sld [smem:$0x3FFE];
	_ =	sdelay $0x1  }
0x8a: {  	s1 =	srdreg.scid  }
0x8b: {  	s0 =	sand.u32 $0x1, s1  }
0x8c: {  	s17 =	sshll.u32 s0, $0xA;
	s2 =	sadd.s32 s3, s2  }
0x8d: {  	s2 =	sadd.s32 s2, s17  }
0x8e: {  	[smem:$0x3FC3] =	sst s2  }
0x8f: {  	_ = 	snop  }
0x90: {  	s2 =	sld [smem:$0x3FC9]  }
0x91: {  	s18 =	sld [smem:$0x3FC8]  }
0x92: {  	s4 =	sld [smem:$0x3FC7]  }
0x93: {  	s5 =	sld [smem:$0x3FC6]  }
0x94: {  	s6 =	sld [smem:$0x3FC5];
	(tm) =	ssettm $0x1  }
0x95: {  	s7 =	sld [smem:$0x3FFB];
	_ =	sdelay $0x3  }
0x96: {  	_ =	strace s7  }
0x97: {  	s7 =	sld [smem:$0x3FFC];
	_ =	sdelay $0x3  }
0x98: {  	_ =	strace s7  }
0x99: {  	s7 =	sld [smem:$0x3FFD];
	_ =	sdelay $0x3  }
0x9a: {  	_ =	strace s7  }
0x9b: {  	_ =	strace $0x8FFFFFFF  }
0x9c: {  	s19 =	sld [smem:$0x3FDB];
	_ =	sdelay $0x1  }
0x9d: {  	s8 =	simm.s32 $_scs_section_size  }
0x9e: {  	s9 =	simm.s32 $_size__tile_overlayer_lowered;
	s10 =	simm.s32 $_tile_overlayer_lowered  }
0x9f: {  	s22 =	simm.s32 $0x1BFF;
	s21 =	sshll.u32 s10, $0x1;
	s7 =	sadd.s32 s8, s19  }
0xa0: {  	s11 =	simm.s32 $0x0;
	s20 =	sshll.u32 s9, $0x1;
	s9 =	sadd.s32 s21, s7  }
0xa1: {  	[timem:s11], [sflag:s22] =	dma.local [hbm:s9], s20  }
0xa2: {  	_ =	swait.ge [sflag:s22], s20  }
0xa3: {  	s8 =	ssub.s32 $0x0, s20;
	[sflag:s22] =	ssyncset.done $0x0  }
0xa4: {  	[sflag:s22] =	ssyncadd.s32 s8;
	_ =	sdelay $0x1  }
0xa5: {  	s23 =	simm.s32 $0x1B8B  }
0xa6: {  	_ =	swait.ge [sflag:s23], $0x1  }
0xa7: {  	[sflag:s23] =	ssyncset.done $0x0  }
0xa8: {  	s25 =	simm.s32 $0x1B8E;
	s24 =	sld [smem:$0x3FFE];
	[sflag:s23] =	ssyncadd.s32 $0xFFFFFFFF  }
0xa9: {  	s26 =	simm.s32 $execute0_lowered;
	[smem:$0x3FD2] =	sst s25  }
0xaa: {  	s9 =	sshll.u32 s26, $0x1;
	_ =	strace $0x80000046;
	[dreg:$0x1] =	wrdreg $0xFFFFFFFF  }
0xab: {  	s28 =	simm.s32 $_size_execute0_lowered;
	s7 =	sadd.s32 s7, s9;
	[dreg:$0x0] =	wrdreg $0x0  }
0xac: {  	s9 =	sshll.u32 s28, $0x1;
	[dreg:$0x2] =	wrdreg s7  }
0xad: {  	[dreg:$0x3] =	wrdreg s9  }
0xae: {  	[dreg:$0x4] =	wrdreg $0xC0  }
0xaf: {  	_ =	task [dreg:s11], $0x5FFFF  }
0xb0: {  	[dreg:$0x1] =	wrdreg $0xFFFFFFFF  }
0xb1: {  	[dreg:$0x0] =	wrdreg $0x60  }
0xb2: {  	[dreg:$0x2] =	wrdreg s2  }
0xb3: {  	[dreg:$0x3] =	wrdreg s18  }
0xb4: {  	[dreg:$0x4] =	wrdreg s4  }
0xb5: {  	[dreg:$0x5] =	wrdreg s5  }
0xb6: {  	[dreg:$0x6] =	wrdreg s6  }
0xb7: {  	[dreg:$0x7] =	wrdreg s24  }
0xb8: {  	[dreg:$0x8] =	wrdreg $0x9  }
0xb9: {  	_ =	task.clear_ibuf [dreg:s11], $0x9FFFF;
	_ =	strace $0x90000046  }
0xba: {  	s29 =	simm.s32 $0x9;
	_ =	strace $0x80000048  }
0xbb: {  	_ =	swait.ge [sflag:s29], $0x1  }
0xbc: {  	[sflag:s29] =	ssyncadd.s32 $0xFFFFFFFF  }
0xbd: {  	_ =	strace $0x90000048  }
0xbe: {  	_ =	sfence  }
0xbf: {  	s30 =	sld [smem:$0x0];
	_ =	sdelay $0x2  }
0xc0: {  	s31 =	sshll.u32 s1, $0xD;
	s1 =	sshrl.u32 s1, $0x2  }
0xc1: {  	s3 =	sand.u32 $0x4000, s31;
	s1 =	sadd.s32 s1, s30  }
0xc2: {  	s0 =	sor.u32 s3, s0;
	s1 =	sshll.u32 s1, $0x11  }
0xc3: {  	s0 =	sor.u32 s1, s0  }
0xc4: {  	s0 =	sadd.s32 $0x8F2B, s0  }
0xc5: {  	[sflag:s0] =	ssyncadd.remote.s32 $0x1  }
0xc6: {  	_ =	sfence.sel $0xFFFF  }
0xc7: {  	[dreg:$0x0] =	wrdreg $0xFFFFFFFF;
	(pc) =	sbr.abs _section_cstart, $3  }
0xc8: {  	[dreg:$0x1] =	wrdreg $0xFFFFFFFF  }
0xc9: {  	_ =	task.clear_ibuf [dreg:s11], $0x2FFFF;
	_ =	strace $0x9FFFFFFF  }
0xca: {  	(tm) =	ssettm $0x7FFFFFFF  }
0xcb: {  	_ =	shalt  }
tec
execute0_lowered:
.L_overlay_start_1:
0x0: {  	(tag) =	ssettag $0x1  }
0x1: {  	s0 =	rddreg [dreg:$0x0]  }
0x2: {  	s1 =	rddreg [dreg:$0x1]  }
0x3: {  	s2 =	rddreg [dreg:$0x2]  }
0x4: {  	s3 =	rddreg [dreg:$0x4]  }
0x5: {  	s4 =	srdreg.scid;
	s7 =	stileid.u32  }
0x6: {  	s5 =	rddreg [dreg:$0x5];
	s14 =	simm.s32 $0x2;
	s15 =	simm.s32 $0x80  }
0x7: {  	s17 =	simm.s32 $0x180;
	s18 =	simm.s32 $0x200;
	s19 =	simm.s32 $0x280  }
0x8: {  	s20 =	simm.s32 $0x300;
	s28 =	simm.s32 $0x1;
	s30 =	simm.s32 $0x0  }
0x9: {  	s6 =	sand.u32 $0x1, s4;
	s7 =	sshll.u32 s7, $0x1;
	s4 =	simm.s32 $0x0  }
0xa: {  	s7 =	sor.u32 s6, s7;
	[smem:$0x7FF] =	sst s4;
	s6 =	ssub.s32 $0x2, s6  }
0xb: {  	s8 =	smul.u32 $0x60, s7;
	s9 =	sshrl.u32 s6, $0x1;
	s7 =	sshll.u32 s7, $0x4  }
0xc: {  	_ =	strace $0x80000047;
	s13 =	ssub.s32 s6, s9;
	s6 =	sadd.s32 s0, s7  }
0xd: {  	s12 =	sadd.s32 s8, s5;
	s5 =	sadd.s32 s2, s7;
	s7 =	sadd.s32 s1, s7  }
0xe: {  	s13 =	smax.u32 s13, $0x1;
	s8 =	sadd.s32 $0x200, s5;
	s9 =	sadd.s32 $0x400, s5  }
0xf: {  	v0 =	vlaneseq.u32;
	s10 =	sadd.s32 $0x600, s5;
	s11 =	sadd.s32 $0x800, s5;
	s12 =	sadd.s32 $0x600, s12  }
.LBB2_1:
0x10: {  	[tilespmem:s4], [sflag:$0x2] =	stream.linear.gather [hbm4b:s6+s4], $0x80, $0x38;
	[tilespmem:$0x1C800] =	vst v63  }
0x11: {  	_ =	swait.ge [sflag:s14], $0x80  }
0x12: {  	[sflag:s14] =	ssyncset.done $0x0  }
0x13: {  	[sflag:s14] =	ssyncadd.s32 $0xFFFFFF80  }
0x14: {  	[tilespmem:s15], [sflag:$0x2] =	stream.linear.gather [hbm4b:s7+s4], $0x80, $0x38;
	[tilespmem:$0x1C800] =	vst v63  }
0x15: {  	_ =	swait.ge [sflag:s14], $0x80  }
0x16: {  	[sflag:s14] =	ssyncset.done $0x0  }
0x17: {  	s1 =	simm.s32 $0x100;
	[sflag:s14] =	ssyncadd.s32 $0xFFFFFF80  }
0x18: {  	[tilespmem:s1], [sflag:$0x2] =	stream.linear.gather [hbm4b:s5+s4], $0x80, $0x38;
	[tilespmem:$0x1C800] =	vst v63  }
0x19: {  	_ =	swait.ge [sflag:s14], $0x80  }
0x1a: {  	[sflag:s14] =	ssyncset.done $0x0  }
0x1b: {  	[sflag:s14] =	ssyncadd.s32 $0xFFFFFF80  }
0x1c: {  	[tilespmem:s17], [sflag:$0x2] =	stream.linear.gather [hbm4b:s8+s4], $0x80, $0x38;
	[tilespmem:$0x1C800] =	vst v63  }
0x1d: {  	_ =	swait.ge [sflag:s14], $0x80  }
0x1e: {  	[sflag:s14] =	ssyncset.done $0x0  }
0x1f: {  	[sflag:s14] =	ssyncadd.s32 $0xFFFFFF80  }
0x20: {  	[tilespmem:s18], [sflag:$0x2] =	stream.linear.gather [hbm4b:s9+s4], $0x80, $0x38;
	[tilespmem:$0x1C800] =	vst v63  }
0x21: {  	_ =	swait.ge [sflag:s14], $0x80  }
0x22: {  	[sflag:s14] =	ssyncset.done $0x0  }
0x23: {  	[sflag:s14] =	ssyncadd.s32 $0xFFFFFF80  }
0x24: {  	[tilespmem:s19], [sflag:$0x2] =	stream.linear.gather [hbm4b:s10+s4], $0x80, $0x38;
	[tilespmem:$0x1C800] =	vst v63  }
0x25: {  	_ =	swait.ge [sflag:s14], $0x80  }
0x26: {  	[sflag:s14] =	ssyncset.done $0x0  }
0x27: {  	[sflag:s14] =	ssyncadd.s32 $0xFFFFFF80  }
0x28: {  	[tilespmem:s20], [sflag:$0x2] =	stream.linear.gather [hbm4b:s11+s4], $0x80, $0x38;
	[tilespmem:$0x1C800] =	vst v63  }
0x29: {  	_ =	swait.ge [sflag:s14], $0x80  }
0x2a: {  	[sflag:s14] =	ssyncset.done $0x0  }
0x2b: {  	[sflag:s14] =	ssyncadd.s32 $0xFFFFFF80  }
0x2c: {  	s2 =	simm.s32 $0x500;
	s0 =	rddreg [dreg:$0x3]  }
0x2d: {  	[tilespmem:s2], [sflag:$0x1] =	stream.indirect.gather [hbm4b:s0+s15], $0x80, s4, s15, $0xb8;
	[tilespmem:$0x1C800] =	vst v63  }
0x2e: {  	s23 =	simm.s32 $0x4500  }
0x2f: {  	[tilespmem:s23], [sflag:$0x1] =	stream.indirect.gather [hbm4b:s3+s15], $0x80, s15, s15, $0xb8;
	[tilespmem:$0x1C800] =	vst v63  }
0x30: {  	s31 =	simm.s32 $0x8500  }
0x31: {  	[tilespmem:s31], [sflag:$0x1] =	stream.indirect.gather [hbm4b:s3+s15], $0x80, s1, s15, $0xb8;
	[tilespmem:$0x1C800] =	vst v63  }
0x32: {  	s24 =	simm.s32 $0xC500  }
0x33: {  	[tilespmem:s24], [sflag:$0x1] =	stream.indirect.gather [hbm4b:s3+s15], $0x80, s17, s15, $0xb8;
	[tilespmem:$0x1C800] =	vst v63  }
0x34: {  	s25 =	simm.s32 $0x10500  }
0x35: {  	[tilespmem:s25], [sflag:$0x1] =	stream.indirect.gather [hbm4b:s3+s15], $0x80, s18, s15, $0xb8;
	[tilespmem:$0x1C800] =	vst v63  }
0x36: {  	s26 =	simm.s32 $0x14500  }
0x37: {  	[tilespmem:s26], [sflag:$0x1] =	stream.indirect.gather [hbm4b:s3+s15], $0x80, s19, s15, $0xb8;
	[tilespmem:$0x1C800] =	vst v63  }
0x38: {  	s29 =	simm.s32 $0x18500  }
0x39: {  	[tilespmem:s29], [sflag:$0x1] =	stream.indirect.gather [hbm4b:s3+s15], $0x80, s20, s15, $0xb8;
	[tilespmem:$0x1C800] =	vst v63  }
0x3a: {  	_ =	swait.ge [sflag:s28], $0x4000  }
0x3b: {  	[sflag:s28] =	ssyncset.done $0x0  }
0x3c: {  	[sflag:s28] =	ssyncadd.s32 $0xFFFFC000  }
0x3d: {  	_ =	swait.ge [sflag:s28], $0x4000  }
0x3e: {  	[sflag:s28] =	ssyncset.done $0x0  }
0x3f: {  	[sflag:s28] =	ssyncadd.s32 $0xFFFFC000  }
0x40: {  	_ =	swait.ge [sflag:s28], $0x4000  }
0x41: {  	[sflag:s28] =	ssyncset.done $0x0  }
0x42: {  	[sflag:s28] =	ssyncadd.s32 $0xFFFFC000  }
0x43: {  	_ =	swait.ge [sflag:s28], $0x4000  }
0x44: {  	[sflag:s28] =	ssyncset.done $0x0  }
0x45: {  	[sflag:s28] =	ssyncadd.s32 $0xFFFFC000  }
0x46: {  	_ =	swait.ge [sflag:s28], $0x4000  }
0x47: {  	[sflag:s28] =	ssyncset.done $0x0  }
0x48: {  	[sflag:s28] =	ssyncadd.s32 $0xFFFFC000  }
0x49: {  	_ =	swait.ge [sflag:s28], $0x4000  }
0x4a: {  	[sflag:s28] =	ssyncset.done $0x0  }
0x4b: {  	[sflag:s28] =	ssyncadd.s32 $0xFFFFC000  }
0x4c: {  	_ =	swait.ge [sflag:s28], $0x4000  }
0x4d: {  	s2 =	simm.s32 $0x540;
	[sflag:s28] =	ssyncset.done $0x0  }
0x4e: {  	s0 =	simm.s32 $0x4540;
	s1 =	simm.s32 $0x0;
	[sflag:s28] =	ssyncadd.s32 $0xFFFFC000  }
.LBB2_2:
0x4f: {  	v9 =	vmov s2;
	_ =	sdelay $0x1  }
0x50: {  	v1 =	vmov s31;
	_ =	sdelay $0x1  }
0x51: {  	s23 =	simm.s32 $0x0  }
0x52: {  	v8 =	vld.idx.msk [tilespmem:v9+s23+$0xFFFFFFC0 ss:$0x1], $0xffff  }
0x53: {  	v3 =	vld.idx.msk [tilespmem:v9+s23+$0xFFFFFFD0 ss:$0x1], $0xffff  }
0x54: {  	v2 =	vld.idx.msk [tilespmem:v1+s23+$0x10000 ss:$0x1], $0xffff  }
0x55: {  	v4 =	vld.idx.msk [tilespmem:v1+s23+$0x10010 ss:$0x1], $0xffff  }
0x56: {  	v7 =	vld.idx.msk [tilespmem:v9+s23+$0xFFFFFFE0 ss:$0x1], $0xffff  }
0x57: {  	v11 =	vld.idx.msk [tilespmem:v1+s23+$0x10020 ss:$0x1], $0xffff  }
0x58: {  	v5 =	vld.idx.msk [tilespmem:v9+s23+$0xFFFFFFF0 ss:$0x1], $0xffff  }
0x59: {  	v12 =	vld.idx.msk [tilespmem:v1+s23+$0x10030 ss:$0x1], $0xffff  }
0x5a: {  	v6 =	vld.idx.msk [tilespmem:v9+s23+$0x0 ss:$0x1], $0xffff  }
0x5b: {  	v13 =	vld.idx.msk [tilespmem:v1+s23+$0x10040 ss:$0x1], $0xffff  }
0x5c: {  	v10 =	vld.idx.msk [tilespmem:v9+s23+$0x10 ss:$0x1], $0xffff;
	v2 =	vmul.f32 v2, v8;
	v4 =	vmul.f32 v4, v3  }
0x5d: {  	v14 =	vld.idx.msk [tilespmem:v1+s23+$0x10050 ss:$0x1], $0xffff  }
0x5e: {  	v15 =	vld.idx.msk [tilespmem:v1+s23+$0x10060 ss:$0x1], $0xffff;
	v2 =	vadd.f32 v4, v2;
	v4 =	vmul.f32 v11, v7  }
0x5f: {  	v16 =	vld.idx.msk [tilespmem:v1+s23+$0x10070 ss:$0x1], $0xffff  }
0x60: {  	v17 =	vld.idx.msk [tilespmem:v1+s23+$0x10 ss:$0x1], $0xffff;
	v2 =	vadd.f32 v4, v2;
	v4 =	vmul.f32 v12, v5  }
0x61: {  	v11 =	vld.idx.msk [tilespmem:v9+s23+$0x20 ss:$0x1], $0xffff  }
0x62: {  	v18 =	vld.idx.msk [tilespmem:v1+s23+$0x4010 ss:$0x1], $0xffff;
	v2 =	vadd.f32 v4, v2;
	v4 =	vmul.f32 v13, v6  }
0x63: {  	v12 =	vld.idx.msk [tilespmem:v9+s23+$0x30 ss:$0x1], $0xffff  }
0x64: {  	v19 =	vld.idx.msk [tilespmem:v1+s23+$0x8010 ss:$0x1], $0xffff;
	v2 =	vadd.f32 v4, v2;
	v4 =	vmul.f32 v14, v10  }
0x65: {  	v20 =	vld.idx.msk [tilespmem:v1+s23+$0xC010 ss:$0x1], $0xffff  }
0x66: {  	v21 =	vld.idx.msk [tilespmem:v1+s23+$0x4020 ss:$0x1], $0xffff;
	v2 =	vadd.f32 v4, v2;
	v4 =	vmul.f32 v15, v11  }
0x67: {  	v22 =	vld.idx.msk [tilespmem:v1+s23+$0xC020 ss:$0x1], $0xffff  }
0x68: {  	v23 =	vld.idx.msk [tilespmem:v1+s23+$0x30 ss:$0x1], $0xffff;
	v2 =	vadd.f32 v4, v2;
	v4 =	vmul.f32 v16, v12  }
0x69: {  	v24 =	vld.idx.msk [tilespmem:v1+s23+$0x4030 ss:$0x1], $0xffff  }
0x6a: {  	v25 =	vld.idx.msk [tilespmem:v1+s23+$0x8030 ss:$0x1], $0xffff;
	v2 =	vadd.f32 v4, v2  }
0x6b: {  	v26 =	vld.idx.msk [tilespmem:v1+s23+$0xC030 ss:$0x1], $0xffff  }
0x6c: {  	v27 =	vld.idx.msk [tilespmem:v1+s23+$0x40 ss:$0x1], $0xffff;
	(xrf2) =	vadd.scan.msk.f32 $0xffff, v2  }
0x6d: {  	v13 =	vld.idx.msk [tilespmem:v1+s23+$0x0 ss:$0x1], $0xffff  }
0x6e: {  	v14 =	vld.idx.msk [tilespmem:v1+s23+$0x4000 ss:$0x1], $0xffff  }
0x6f: {  	v15 =	vld.idx.msk [tilespmem:v1+s23+$0x8000 ss:$0x1], $0xffff  }
0x70: {  	v16 =	vld.idx.msk [tilespmem:v1+s23+$0xC000 ss:$0x1], $0xffff  }
0x71: {  	v4 =	vld.idx.msk [tilespmem:v1+s23+$0x20 ss:$0x1], $0xffff  }
0x72: {  	v17 =	vmul.f32 v17, v3;
	v13 =	vmul.f32 v13, v8;
	v2 =	vld.idx.msk [tilespmem:v1+s23+$0x8020 ss:$0x1], $0xffff  }
0x73: {  	v28 =	vld.idx.msk [tilespmem:v1+s23+$0x4040 ss:$0x1], $0xffff;
	v18 =	vmul.f32 v18, v3;
	v14 =	vmul.f32 v14, v8  }
0x74: {  	v29 =	vld.idx.msk [tilespmem:v1+s23+$0x8040 ss:$0x1], $0xffff;
	v13 =	vadd.f32 v17, v13;
	v17 =	vmul.f32 v19, v3  }
0x75: {  	v30 =	vld.idx.msk [tilespmem:v1+s23+$0x50 ss:$0x1], $0xffff;
	v15 =	vmul.f32 v15, v8;
	v14 =	vadd.f32 v18, v14;
	v18 =	vmul.f32 v20, v3  }
0x76: {  	v19 =	vld.idx.msk [tilespmem:v1+s23+$0xC040 ss:$0x1], $0xffff;
	v16 =	vmul.f32 v16, v8;
	v4 =	vmul.f32 v4, v7;
	v20, _, _ =	vpop (xrf2)  }
0x77: {  	v15 =	vadd.f32 v17, v15;
	v17 =	vld.idx.msk [tilespmem:v1+s23+$0x4050 ss:$0x1], $0xffff;
	v2 =	vmul.f32 v2, v7;
	(v2sf) =	vpush v20, $0xF  }
0x78: {  	v16 =	vadd.f32 v18, v16;
	v18 =	vld.idx.msk [tilespmem:v1+s23+$0x8050 ss:$0x1], $0xffff;
	v4 =	vadd.f32 v4, v13;
	v20 =	vmul.f32 v21, v7  }
0x79: {  	v13 =	vmul.f32 v22, v7;
	v22 =	vld.idx.msk [tilespmem:v1+s23+$0xC050 ss:$0x1], $0xffff;
	v2 =	vadd.f32 v2, v15;
	v21 =	vmul.f32 v23, v5  }
0x7a: {  	v15 =	vmul.f32 v24, v5;
	v24 =	vmul.f32 v27, v6;
	v27 =	vld.idx.msk [tilespmem:v1+s23+$0x4070 ss:$0x1], $0xffff;
	v14 =	vadd.f32 v20, v14  }
0x7b: {  	v13 =	vadd.f32 v13, v16;
	v23 =	vld.idx.msk [tilespmem:v1+s23+$0x4060 ss:$0x1], $0xffff;
	v16 =	vadd.f32 v21, v4;
	v21 =	vmul.f32 v25, v5  }
0x7c: {  	v20 =	vld.idx.msk [tilespmem:v1+s23+$0x60 ss:$0x1], $0xffff;
	v14 =	vadd.f32 v15, v14;
	v15 =	vmul.f32 v26, v5  }
0x7d: {  	v25 =	vld.idx.msk [tilespmem:v1+s23+$0x8060 ss:$0x1], $0xffff;
	v4 =	vmov s0;
	v2 =	vadd.f32 v21, v2;
	v21 =	vmul.f32 v28, v6  }
0x7e: {  	v26 =	vld.idx.msk [tilespmem:v1+s23+$0xC060 ss:$0x1], $0xffff;
	v13 =	vadd.f32 v15, v13;
	v15 =	vadd.f32 v24, v16;
	v16 =	vmul.f32 v29, v6  }
0x7f: {  	v19 =	vmul.f32 v19, v6;
	v24 =	vld.idx.msk [tilespmem:v1+s23+$0x70 ss:$0x1], $0xffff;
	v14 =	vadd.f32 v21, v14;
	v21 =	vmul.f32 v30, v10  }
0x80: {  	v2 =	vadd.f32 v16, v2;
	v16 =	vmul.f32 v17, v10;
	v17 =	vmul.f32 v18, v10;
	v18 =	vld.idx.msk [tilespmem:v1+s23+$0x8070 ss:$0x1], $0xffff  }
0x81: {  	v13 =	vadd.f32 v19, v13;
	v15 =	vadd.f32 v21, v15;
	v19 =	vmul.f32 v22, v10;
	v22 =	vld.idx.msk [tilespmem:v1+s23+$0xC070 ss:$0x1], $0xffff  }
0x82: {  	v21 =	vmul.f32 v23, v11;
	v23 =	vld.idx.msk [tilespmem:v4+s23+$0xFFFFFFD0 ss:$0x1], $0xffff;
	v14 =	vadd.f32 v16, v14;
	v16 =	vmul.f32 v20, v11  }
0x83: {  	v17 =	vadd.f32 v17, v2;
	v20 =	vld.idx.msk [tilespmem:v4+s23+$0xFFFFFFC0 ss:$0x1], $0xffff;
	v13 =	vadd.f32 v19, v13;
	v19 =	vmul.f32 v25, v11  }
0x84: {  	v25 =	vld.idx.msk [tilespmem:v4+s23+$0xFFFFFFE0 ss:$0x1], $0xffff;
	v15 =	vadd.f32 v16, v15;
	v14 =	vadd.f32 v21, v14;
	v21 =	vmul.f32 v24, v12  }
0x85: {  	s21 =	simm.s32 $0x0;
	v16 =	vmul.f32 v26, v11;
	v17 =	vadd.f32 v19, v17;
	v19 =	vld.idx.msk [tilespmem:v4+s23+$0xFFFFFFF0 ss:$0x1], $0xffff;
	v24 =	vmul.f32 v27, v12  }
0x86: {  	v26 =	vmov s21;
	v27 =	vmul.f32 v22, v12;
	v22 =	vld.idx.msk [tilespmem:v4+s23+$0x20 ss:$0x1], $0xffff;
	v15 =	vadd.f32 v21, v15;
	s22 =	spop (v2sf)  }
0x87: {  	v18 =	vmul.f32 v18, v12;
	vm0 =	veq.s32 v26, v0;
	v13 =	vadd.f32 v16, v13;
	v16 =	vld.idx.msk [tilespmem:v4+s23+$0x0 ss:$0x1], $0xffff;
	s22 =	ssub.f32 $0.0e+00, s22  }
0x88: {  	v2 =	vimm.f32 $0.0e+00;
	v21 =	vld.idx.msk [tilespmem:v4+s23+$0x10 ss:$0x1], $0xffff;
	v28 =	vadd.f32 v24, v14;
	v8 =	vmul.f32 v20, v8;
	(xrf2) =	vadd.scan.msk.f32 $0xffff, v15  }
0x89: {  	v24 =	vld.idx.msk [tilespmem:v4+s23+$0x30 ss:$0x1], $0xffff;
	v20 =	vmul.f32 v23, v3;
	v23 =	vadd.f32 v18, v17;
	v3 =	vsel vm0, s22, v2;
	s22 =	simm.s32 $0x80  }
0x8a: {  	v18 =	vadd.f32 v27, v13;
	v27 =	vmul.f32 v25, v7;
	v7 =	vimm.f32 $0.0e+00;
	v13 =	vld.idx.msk [tilespmem:v9+s22+$0xFFFFFFC0 ss:$0x1], $0xffff  }
0x8b: {  	v29 =	vadd.f32 v20, v8;
	v26 =	vmul.f32 v19, v5;
	v8 =	vimm.f32 $0.0e+00;
	(xrf2) =	vadd.scan.msk.f32 $0xffff, v28;
	v14 =	vld.idx.msk [tilespmem:v9+s22+$0xFFFFFFD0 ss:$0x1], $0xffff  }
0x8c: {  	s23 =	simm.s32 $0x400;
	v5 =	vimm.f32 $0.0e+00;
	v25 =	vmul.f32 v16, v6;
	v28 =	vld.idx.msk [tilespmem:v1+s22+$0x10000 ss:$0x1], $0xffff;
	v6 =	vimm.f32 $0.0e+00  }
.LBB2_3:
0x8d: {  	p0 =	sne.s32 s23, $0x1E00;
	v19 =	vld.idx.msk [tilespmem:v1+s22+$0x10010 ss:$0x1], $0xffff;
	v16 =	vadd.f32 v27, v29;
	v10 =	vmul.f32 v21, v10  }
0x8e: {  	v11 =	vmul.f32 v22, v11;
	v15 =	vld.idx.msk [tilespmem:v9+s22+$0xFFFFFFE0 ss:$0x1], $0xffff;
	(xrf2) =	vadd.scan.msk.f32 $0xffff, v23  }
0x8f: {  	v12 =	vmul.f32 v24, v12;
	v20 =	vld.idx.msk [tilespmem:v1+s22+$0x10020 ss:$0x1], $0xffff;
	v17 =	vadd.f32 v26, v16  }
0x90: {  	v16 =	vld.idx.msk [tilespmem:v9+s22+$0xFFFFFFF0 ss:$0x1], $0xffff  }
0x91: {  	v21 =	vld.idx.msk [tilespmem:v1+s22+$0x10030 ss:$0x1], $0xffff;
	v22 =	vadd.f32 v25, v17;
	(xrf2) =	vadd.scan.msk.f32 $0xffff, v18  }
0x92: {  	v17 =	vld.idx.msk [tilespmem:v9+s22+$0x0 ss:$0x1], $0xffff;
	v18, _, _ =	vpop (xrf2)  }
0x93: {  	v25 =	vmul.f32 v28, v13;
	v19 =	vmul.f32 v19, v14;
	v24 =	vld.idx.msk [tilespmem:v1+s22+$0x10040 ss:$0x1], $0xffff;
	v22 =	vadd.f32 v10, v22  }
0x94: {  	v10 =	vld.idx.msk [tilespmem:v9+s22+$0x10 ss:$0x1], $0xffff;
	(v2sf) =	vpush v18, $0xF  }
0x95: {  	v18 =	vadd.f32 v19, v25;
	v19 =	vmul.f32 v20, v15;
	v20 =	vld.idx.msk [tilespmem:v1+s22+$0x10050 ss:$0x1], $0xffff;
	v22 =	vadd.f32 v11, v22;
	v23, _, _ =	vpop (xrf2)  }
0x96: {  	v11 =	vld.idx.msk [tilespmem:v9+s22+$0x20 ss:$0x1], $0xffff;
	(v2sf) =	vpush v23, $0xF  }
0x97: {  	v18 =	vadd.f32 v19, v18;
	v19 =	vmul.f32 v21, v16;
	v21 =	vld.idx.msk [tilespmem:v1+s22+$0x10060 ss:$0x1], $0xffff;
	v22 =	vadd.f32 v12, v22  }
0x98: {  	v12 =	vld.idx.msk [tilespmem:v9+s22+$0x30 ss:$0x1], $0xffff;
	v23, _, _ =	vpop (xrf2)  }
0x99: {  	v18 =	vadd.f32 v19, v18;
	v19 =	vmul.f32 v24, v17;
	v24 =	vld.idx.msk [tilespmem:v1+s22+$0x10070 ss:$0x1], $0xffff;
	(xrf2) =	vadd.scan.msk.f32 $0xffff, v22;
	(v2sf) =	vpush v23, $0xF  }
0x9a: {  	v22 =	vld.idx.msk [tilespmem:v1+s22+$0x0 ss:$0x1], $0xffff  }
0x9b: {  	v18 =	vadd.f32 v19, v18;
	v19 =	vmul.f32 v20, v10;
	v23 =	vld.idx.msk [tilespmem:v1+s22+$0x10 ss:$0x1], $0xffff;
	v20, _, _ =	vpop (xrf2)  }
0x9c: {  	v25 =	vld.idx.msk [tilespmem:v1+s22+$0x4000 ss:$0x1], $0xffff;
	(v2sf) =	vpush v20, $0xF  }
0x9d: {  	v18 =	vadd.f32 v19, v18;
	v19 =	vmul.f32 v21, v11;
	v20 =	vld.idx.msk [tilespmem:v1+s22+$0x4010 ss:$0x1], $0xffff  }
0x9e: {  	v21 =	vld.idx.msk [tilespmem:v1+s22+$0x8000 ss:$0x1], $0xffff  }
0x9f: {  	v18 =	vadd.f32 v19, v18;
	v19 =	vmul.f32 v24, v12;
	v26 =	vld.idx.msk [tilespmem:v1+s22+$0x8010 ss:$0x1], $0xffff  }
0xa0: {  	v22 =	vmul.f32 v22, v13;
	v24 =	vld.idx.msk [tilespmem:v1+s22+$0xC000 ss:$0x1], $0xffff  }
0xa1: {  	v23 =	vmul.f32 v23, v14;
	v28 =	vadd.f32 v19, v18;
	v27 =	vld.idx.msk [tilespmem:v1+s22+$0xC010 ss:$0x1], $0xffff  }
0xa2: {  	v25 =	vmul.f32 v25, v13;
	v19 =	vld.idx.msk [tilespmem:v1+s22+$0x20 ss:$0x1], $0xffff  }
0xa3: {  	v22 =	vadd.f32 v23, v22;
	v20 =	vmul.f32 v20, v14;
	v23 =	vld.idx.msk [tilespmem:v1+s22+$0x4020 ss:$0x1], $0xffff;
	(xrf2) =	vadd.scan.msk.f32 $0xffff, v28;
	v18, _, _ =	vpop (xrf2);
	s24 =	spop (v2sf)  }
0xa4: {  	v21 =	vmul.f32 v21, v13;
	v28 =	vld.idx.msk [tilespmem:v1+s22+$0x8020 ss:$0x1], $0xffff;
	v18 =	vbroadcast v18, $0xF;
	s24 =	ssub.f32 $0.0e+00, s24  }
0xa5: {  	v20 =	vadd.f32 v20, v25;
	v25 =	vmul.f32 v26, v14;
	v26 =	vld.idx.msk [tilespmem:v1+s22+$0xC020 ss:$0x1], $0xffff;
	s25 =	spop (v2sf)  }
0xa6: {  	v24 =	vmul.f32 v24, v13;
	v29 =	vld.idx.msk [tilespmem:v1+s22+$0x30 ss:$0x1], $0xffff;
	v2 =	vsel vm0, v18, v2;
	v8 =	vsel vm0, s24, v8;
	s24 =	ssub.f32 $0.0e+00, s25  }
0xa7: {  	v21 =	vadd.f32 v25, v21;
	v25 =	vmul.f32 v27, v14;
	v18 =	vld.idx.msk [tilespmem:v1+s22+$0x4030 ss:$0x1], $0xffff  }
0xa8: {  	v19 =	vmul.f32 v19, v15;
	v27 =	vld.idx.msk [tilespmem:v1+s22+$0x8030 ss:$0x1], $0xffff;
	v7 =	vsel vm0, s24, v7;
	s24 =	spop (v2sf)  }
0xa9: {  	v23 =	vmul.f32 v23, v15;
	v24 =	vadd.f32 v25, v24;
	v25 =	vld.idx.msk [tilespmem:v1+s22+$0xC030 ss:$0x1], $0xffff;
	s24 =	ssub.f32 $0.0e+00, s24  }
0xaa: {  	v19 =	vadd.f32 v19, v22;
	v28 =	vmul.f32 v28, v15;
	v22 =	vld.idx.msk [tilespmem:v1+s22+$0x40 ss:$0x1], $0xffff  }
0xab: {  	v20 =	vadd.f32 v23, v20;
	v26 =	vmul.f32 v26, v15;
	v23 =	vld.idx.msk [tilespmem:v1+s22+$0x4040 ss:$0x1], $0xffff;
	v6 =	vsel vm0, s24, v6;
	s24 =	spop (v2sf)  }
0xac: {  	v29 =	vmul.f32 v29, v16;
	v21 =	vadd.f32 v28, v21;
	v28 =	vld.idx.msk [tilespmem:v1+s22+$0x8040 ss:$0x1], $0xffff;
	s24 =	ssub.f32 $0.0e+00, s24  }
0xad: {  	v18 =	vmul.f32 v18, v16;
	v24 =	vadd.f32 v26, v24;
	v26 =	vld.idx.msk [tilespmem:v1+s22+$0xC040 ss:$0x1], $0xffff;
	v30, _, _ =	vpop (xrf2)  }
0xae: {  	v19 =	vadd.f32 v29, v19;
	v27 =	vmul.f32 v27, v16;
	v29 =	vld.idx.msk [tilespmem:v1+s22+$0x50 ss:$0x1], $0xffff;
	(v2sf) =	vpush v30, $0xF  }
0xaf: {  	v18 =	vadd.f32 v18, v20;
	v25 =	vmul.f32 v25, v16;
	v5 =	vsel vm0, s24, v5;
	v20 =	vld.idx.msk [tilespmem:v1+s22+$0x4050 ss:$0x1], $0xffff  }
0xb0: {  	v22 =	vmul.f32 v22, v17;
	v21 =	vadd.f32 v27, v21;
	v27 =	vld.idx.msk [tilespmem:v1+s22+$0x8050 ss:$0x1], $0xffff  }
0xb1: {  	v23 =	vmul.f32 v23, v17;
	v24 =	vadd.f32 v25, v24;
	v25 =	vld.idx.msk [tilespmem:v1+s22+$0xC050 ss:$0x1], $0xffff  }
0xb2: {  	v19 =	vadd.f32 v22, v19;
	v28 =	vmul.f32 v28, v17;
	v22 =	vld.idx.msk [tilespmem:v1+s22+$0x60 ss:$0x1], $0xffff  }
0xb3: {  	v18 =	vadd.f32 v23, v18;
	v26 =	vmul.f32 v26, v17;
	v23 =	vld.idx.msk [tilespmem:v1+s22+$0x4060 ss:$0x1], $0xffff  }
0xb4: {  	v29 =	vmul.f32 v29, v10;
	v21 =	vadd.f32 v28, v21;
	v28 =	vld.idx.msk [tilespmem:v1+s22+$0x8060 ss:$0x1], $0xffff  }
0xb5: {  	v20 =	vmul.f32 v20, v10;
	v24 =	vadd.f32 v26, v24;
	v26 =	vld.idx.msk [tilespmem:v1+s22+$0xC060 ss:$0x1], $0xffff  }
0xb6: {  	v19 =	vadd.f32 v29, v19;
	v27 =	vmul.f32 v27, v10;
	v29 =	vld.idx.msk [tilespmem:v1+s22+$0x70 ss:$0x1], $0xffff  }
0xb7: {  	v18 =	vadd.f32 v20, v18;
	v25 =	vmul.f32 v25, v10;
	v20 =	vld.idx.msk [tilespmem:v1+s22+$0x4070 ss:$0x1], $0xffff  }
0xb8: {  	v22 =	vmul.f32 v22, v11;
	v21 =	vadd.f32 v27, v21;
	v27 =	vld.idx.msk [tilespmem:v1+s22+$0x8070 ss:$0x1], $0xffff  }
0xb9: {  	v23 =	vmul.f32 v23, v11;
	v24 =	vadd.f32 v25, v24;
	v25 =	vld.idx.msk [tilespmem:v1+s22+$0xC070 ss:$0x1], $0xffff  }
0xba: {  	v19 =	vadd.f32 v22, v19;
	v22 =	vmul.f32 v28, v11;
	v30 =	vld.idx.msk [tilespmem:v4+s22+$0xFFFFFFC0 ss:$0x1], $0xffff  }
0xbb: {  	v18 =	vadd.f32 v23, v18;
	v23 =	vmul.f32 v26, v11;
	v28 =	vld.idx.msk [tilespmem:v4+s22+$0xFFFFFFD0 ss:$0x1], $0xffff  }
0xbc: {  	v29 =	vmul.f32 v29, v12;
	v31 =	vadd.f32 v22, v21;
	v26 =	vld.idx.msk [tilespmem:v4+s22+$0xFFFFFFE0 ss:$0x1], $0xffff  }
0xbd: {  	s21 =	sadd.s32 $0x1, s21;
	v20 =	vmul.f32 v20, v12;
	v33 =	vadd.f32 v23, v24;
	v32 =	vld.idx.msk [tilespmem:v4+s22+$0xFFFFFFF0 ss:$0x1], $0xffff;
	s24 =	spop (v2sf)  }
0xbe: {  	v22 =	vmov s21;
	v19 =	vadd.f32 v29, v19;
	v23 =	vmul.f32 v27, v12;
	v34 =	vld.idx.msk [tilespmem:v4+s22+$0x0 ss:$0x1], $0xffff;
	s24 =	ssub.f32 $0.0e+00, s24  }
0xbf: {  	vm0 =	veq.s32 v22, v0;
	v20 =	vadd.f32 v20, v18;
	v18 =	vmul.f32 v25, v12;
	v21 =	vld.idx.msk [tilespmem:v4+s22+$0x10 ss:$0x1], $0xffff  }
.Ltmp0:
0xc0: {  	v25 =	vmul.f32 v30, v13;
	v23 =	vadd.f32 v23, v31;
	v22 =	vld.idx.msk [tilespmem:v4+s22+$0x20 ss:$0x1], $0xffff;
	v3 =	vsel vm0, s24, v3;
	(xrf2) =	vadd.scan.msk.f32 $0xffff, v19;
	(pc) =	sbr.rel @p0 .LBB2_3-.Ltmp0, $4  }
0xc1: {  	v19 =	vmul.f32 v28, v14;
	v18 =	vadd.f32 v18, v33;
	v24 =	vld.idx.msk [tilespmem:v4+s22+$0x30 ss:$0x1], $0xffff;
	s22 =	sshra.s32 s23, $0x2  }
0xc2: {  	v27 =	vmul.f32 v26, v15;
	v13 =	vld.idx.msk [tilespmem:v9+s22+$0xFFFFFFC0 ss:$0x1], $0xffff  }
0xc3: {  	v29 =	vadd.f32 v19, v25;
	v26 =	vmul.f32 v32, v16;
	v14 =	vld.idx.msk [tilespmem:v9+s22+$0xFFFFFFD0 ss:$0x1], $0xffff;
	(xrf2) =	vadd.scan.msk.f32 $0xffff, v20  }
0xc4: {  	s23 =	sadd.s32 $0x200, s23;
	v25 =	vmul.f32 v34, v17;
	v28 =	vld.idx.msk [tilespmem:v1+s22+$0x10000 ss:$0x1], $0xffff  }
0xc5: {  	_ =	sdelay $0x3  }
0xc6: {  	v30 =	vld.idx.msk [tilespmem:v1+s22+$0x10010 ss:$0x1], $0xffff  }
0xc7: {  	v20 =	vld.idx.msk [tilespmem:v9+s22+$0xFFFFFFE0 ss:$0x1], $0xffff  }
0xc8: {  	v31 =	vld.idx.msk [tilespmem:v1+s22+$0x10020 ss:$0x1], $0xffff  }
0xc9: {  	v19 =	vld.idx.msk [tilespmem:v9+s22+$0xFFFFFFF0 ss:$0x1], $0xffff  }
0xca: {  	v32 =	vld.idx.msk [tilespmem:v1+s22+$0x10030 ss:$0x1], $0xffff  }
0xcb: {  	v17 =	vld.idx.msk [tilespmem:v9+s22+$0x0 ss:$0x1], $0xffff  }
0xcc: {  	v33 =	vld.idx.msk [tilespmem:v1+s22+$0x10040 ss:$0x1], $0xffff  }
0xcd: {  	v16 =	vld.idx.msk [tilespmem:v9+s22+$0x10 ss:$0x1], $0xffff  }
0xce: {  	v34 =	vld.idx.msk [tilespmem:v1+s22+$0x10050 ss:$0x1], $0xffff  }
0xcf: {  	v15 =	vld.idx.msk [tilespmem:v9+s22+$0x20 ss:$0x1], $0xffff  }
0xd0: {  	v35 =	vld.idx.msk [tilespmem:v1+s22+$0x10060 ss:$0x1], $0xffff  }
0xd1: {  	v9 =	vld.idx.msk [tilespmem:v9+s22+$0x30 ss:$0x1], $0xffff  }
0xd2: {  	v36 =	vld.idx.msk [tilespmem:v1+s22+$0x10070 ss:$0x1], $0xffff  }
0xd3: {  	v37 =	vld.idx.msk [tilespmem:v1+s22+$0x0 ss:$0x1], $0xffff  }
0xd4: {  	v38 =	vld.idx.msk [tilespmem:v1+s22+$0x10 ss:$0x1], $0xffff  }
0xd5: {  	v39 =	vld.idx.msk [tilespmem:v1+s22+$0x4000 ss:$0x1], $0xffff  }
0xd6: {  	v40 =	vld.idx.msk [tilespmem:v1+s22+$0x4010 ss:$0x1], $0xffff  }
0xd7: {  	v41 =	vld.idx.msk [tilespmem:v1+s22+$0x8000 ss:$0x1], $0xffff  }
0xd8: {  	v42 =	vld.idx.msk [tilespmem:v1+s22+$0x8010 ss:$0x1], $0xffff  }
0xd9: {  	v43 =	vld.idx.msk [tilespmem:v1+s22+$0xC000 ss:$0x1], $0xffff  }
0xda: {  	v44 =	vld.idx.msk [tilespmem:v1+s22+$0xC010 ss:$0x1], $0xffff  }
0xdb: {  	v27 =	vadd.f32 v27, v29;
	v29 =	vld.idx.msk [tilespmem:v1+s22+$0x4020 ss:$0x1], $0xffff  }
0xdc: {  	v10 =	vmul.f32 v21, v10;
	v11 =	vmul.f32 v22, v11;
	v21 =	vld.idx.msk [tilespmem:v1+s22+$0xC030 ss:$0x1], $0xffff  }
0xdd: {  	v50 =	vld.idx.msk [tilespmem:v1+s22+$0x40 ss:$0x1], $0xffff;
	v12 =	vmul.f32 v24, v12;
	v28 =	vmul.f32 v28, v13  }
0xde: {  	v54 =	vld.idx.msk [tilespmem:v1+s22+$0x8040 ss:$0x1], $0xffff;
	v30 =	vmul.f32 v30, v14;
	v61 =	vmul.f32 v31, v20  }
0xdf: {  	v57 =	vld.idx.msk [tilespmem:v1+s22+$0xC040 ss:$0x1], $0xffff;
	v62 =	vmul.f32 v32, v19;
	v63 =	vmul.f32 v33, v17  }
0xe0: {  	v60 =	vld.idx.msk [tilespmem:v1+s22+$0x50 ss:$0x1], $0xffff;
	v47 =	vmul.f32 v34, v16;
	v49 =	vmul.f32 v35, v15  }
0xe1: {  	v24 =	vld.idx.msk [tilespmem:v1+s22+$0x4040 ss:$0x1], $0xffff;
	v26 =	vadd.f32 v26, v27;
	v51 =	vmul.f32 v36, v9;
	v52 =	vmul.f32 v37, v13  }
0xe2: {  	v27 =	vld.idx.msk [tilespmem:v1+s22+$0xC020 ss:$0x1], $0xffff;
	v53 =	vmul.f32 v38, v14;
	v55 =	vmul.f32 v39, v13;
	v28 =	vadd.f32 v30, v28  }
0xe3: {  	v45 =	vadd.f32 v25, v26;
	v25 =	vld.idx.msk [tilespmem:v1+s22+$0x4030 ss:$0x1], $0xffff;
	v56 =	vmul.f32 v40, v14;
	v58 =	vmul.f32 v41, v13  }
0xe4: {  	v31 =	vld.idx.msk [tilespmem:v1+s22+$0x20 ss:$0x1], $0xffff;
	v59 =	vmul.f32 v42, v14;
	v29 =	vmul.f32 v29, v20;
	v28 =	vadd.f32 v61, v28  }
0xe5: {  	(xrf2) =	vadd.scan.msk.f32 $0xffff, v23;
	v32 =	vld.idx.msk [tilespmem:v1+s22+$0x8020 ss:$0x1], $0xffff;
	v21 =	vmul.f32 v21, v19;
	v50 =	vmul.f32 v50, v17  }
0xe6: {  	v33 =	vld.idx.msk [tilespmem:v1+s22+$0x30 ss:$0x1], $0xffff;
	v10 =	vadd.f32 v10, v45;
	v24 =	vmul.f32 v24, v17;
	v28 =	vadd.f32 v62, v28  }
0xe7: {  	v45 =	vld.idx.msk [tilespmem:v1+s22+$0x60 ss:$0x1], $0xffff;
	v23 =	vadd.f32 v53, v52;
	v27 =	vmul.f32 v27, v20;
	v53 =	vmul.f32 v54, v17  }
0xe8: {  	v30 =	vld.idx.msk [tilespmem:v1+s22+$0x8030 ss:$0x1], $0xffff;
	v54 =	vmul.f32 v57, v17;
	v10 =	vadd.f32 v11, v10;
	v46 =	vadd.f32 v63, v28  }
0xe9: {  	v52 =	vld.idx.msk [tilespmem:v1+s22+$0x70 ss:$0x1], $0xffff;
	v61 =	vmul.f32 v43, v13;
	v25 =	vmul.f32 v25, v19  }
0xea: {  	v43 =	vld.idx.msk [tilespmem:v1+s22+$0x8050 ss:$0x1], $0xffff;
	v10 =	vadd.f32 v12, v10;
	v31 =	vmul.f32 v31, v20;
	v48 =	vadd.f32 v47, v46  }
0xeb: {  	v12 =	vadd.f32 v56, v55;
	v32 =	vmul.f32 v32, v20;
	v55 =	vld.idx.msk [tilespmem:v1+s22+$0x4070 ss:$0x1], $0xffff;
	v62 =	vmul.f32 v44, v14  }
0xec: {  	v56 =	vmul.f32 v60, v16;
	v44 =	vld.idx.msk [tilespmem:v1+s22+$0xC050 ss:$0x1], $0xffff;
	v23 =	vadd.f32 v31, v23;
	v22 =	vadd.f32 v49, v48  }
0xed: {  	v12 =	vadd.f32 v29, v12;
	v63 =	vld.idx.msk [tilespmem:v1+s22+$0x4050 ss:$0x1], $0xffff;
	v28 =	vadd.f32 v62, v61;
	v46 =	vmul.f32 v33, v19  }
0xee: {  	v29 =	vmul.f32 v45, v15;
	v61 =	vld.idx.msk [tilespmem:v4+s22+$0xFFFFFFC0 ss:$0x1], $0xffff;
	v11 =	vadd.f32 v51, v22;
	v22 =	vadd.f32 v59, v58  }
0xef: {  	v38 =	vmul.f32 v52, v9;
	v47 =	vld.idx.msk [tilespmem:v1+s22+$0x4060 ss:$0x1], $0xffff;
	v27 =	vadd.f32 v27, v28;
	v23 =	vadd.f32 v46, v23  }
0xf0: {  	v12 =	vadd.f32 v25, v12;
	v48 =	vmul.f32 v30, v19;
	v49 =	vld.idx.msk [tilespmem:v1+s22+$0x8060 ss:$0x1], $0xffff;
	v22 =	vadd.f32 v32, v22  }
0xf1: {  	v40 =	vmul.f32 v55, v9;
	v21 =	vadd.f32 v21, v27;
	v51 =	vld.idx.msk [tilespmem:v1+s22+$0xC060 ss:$0x1], $0xffff;
	v23 =	vadd.f32 v50, v23  }
0xf2: {  	v12 =	vadd.f32 v24, v12;
	v57 =	vmul.f32 v63, v16;
	v58 =	vld.idx.msk [tilespmem:v1+s22+$0x8070 ss:$0x1], $0xffff;
	v22 =	vadd.f32 v48, v22  }
0xf3: {  	v60 =	vmul.f32 v44, v16;
	v21 =	vadd.f32 v54, v21;
	v1 =	vld.idx.msk [tilespmem:v1+s22+$0xC070 ss:$0x1], $0xffff;
	v23 =	vadd.f32 v56, v23  }
0xf4: {  	v63 =	vld.idx.msk [tilespmem:v4+s22+$0xFFFFFFD0 ss:$0x1], $0xffff;
	v59 =	vmul.f32 v43, v16;
	v12 =	vadd.f32 v57, v12;
	v22 =	vadd.f32 v53, v22  }
0xf5: {  	(xrf2) =	vadd.scan.msk.f32 $0xffff, v18;
	v62 =	vmul.f32 v47, v15;
	v33 =	vadd.f32 v60, v21;
	v23 =	vadd.f32 v29, v23  }
0xf6: {  	v37 =	vld.idx.msk [tilespmem:v4+s22+$0xFFFFFFE0 ss:$0x1], $0xffff;
	v35 =	vmul.f32 v49, v15;
	v36 =	vmul.f32 v51, v15;
	v22 =	vadd.f32 v59, v22  }
0xf7: {  	v41 =	vld.idx.msk [tilespmem:v4+s22+$0xFFFFFFF0 ss:$0x1], $0xffff;
	v12 =	vadd.f32 v62, v12;
	v42 =	vmul.f32 v58, v9;
	v23 =	vadd.f32 v38, v23  }
0xf8: {  	(xrf2) =	vadd.scan.msk.f32 $0xffff, v10;
	v1 =	vmul.f32 v1, v9;
	v18 =	vadd.f32 v36, v33;
	v39 =	vadd.f32 v35, v22  }
0xf9: {  	v44 =	vmul.f32 v61, v13;
	(xrf2) =	vadd.scan.msk.f32 $0xffff, v11;
	v45 =	vmul.f32 v63, v14;
	v43 =	vadd.f32 v40, v12  }
0xfa: {  	v46 =	vld.idx.msk [tilespmem:v4+s22+$0x0 ss:$0x1], $0xffff;
	(xrf2) =	vadd.scan.msk.f32 $0xffff, v23;
	v1 =	vadd.f32 v1, v18;
	v10 =	vadd.f32 v42, v39  }
0xfb: {  	v47 =	vmul.f32 v37, v20;
	v12 =	vadd.f32 v45, v44;
	(xrf2) =	vadd.scan.msk.f32 $0xffff, v43  }
0xfc: {  	v48 =	vld.idx.msk [tilespmem:v4+s22+$0x10 ss:$0x1], $0xffff;
	(xrf2) =	vadd.scan.msk.f32 $0xffff, v10  }
0xfd: {  	v49 =	vmul.f32 v41, v19;
	v12 =	vadd.f32 v47, v12;
	(xrf2) =	vadd.scan.msk.f32 $0xffff, v1  }
0xfe: {  	v50 =	vld.idx.msk [tilespmem:v4+s22+$0x20 ss:$0x1], $0xffff;
	v1, _, _ =	vpop (xrf2)  }
0xff: {  	v14 =	vmul.f32 v46, v17;
	v10 =	vadd.f32 v49, v12;
	v51, _, _ =	vpop (xrf2)  }
0x100: {  	(v2sf) =	vpush v1, $0xF;
	v1 =	vld.idx.msk [tilespmem:v4+s22+$0x30 ss:$0x1], $0xffff;
	v52, _, _ =	vpop (xrf2)  }
0x101: {  	v11 =	vmul.f32 v48, v16;
	v10 =	vadd.f32 v14, v10;
	(v2sf) =	vpush v51, $0xF;
	v53, _, _ =	vpop (xrf2)  }
0x102: {  	(v2sf) =	vpush v52, $0xF;
	v54, _, _ =	vpop (xrf2)  }
0x103: {  	v56 =	vmul.f32 v50, v15;
	v10 =	vadd.f32 v11, v10;
	(v2sf) =	vpush v53, $0xF;
	v55, _, _ =	vpop (xrf2)  }
0x104: {  	(v2sf) =	vpush v55, $0xF;
	v57, _, _ =	vpop (xrf2)  }
0x105: {  	v4 =	vadd.f32 v56, v10;
	v1 =	vmul.f32 v1, v9;
	(v2sf) =	vpush v57, $0xF;
	v58, _, _ =	vpop (xrf2)  }
0x106: {  	(v2sf) =	vpush v58, $0xF;
	v59, _, _ =	vpop (xrf2)  }
0x107: {  	v1 =	vadd.f32 v1, v4;
	(v2sf) =	vpush v59, $0xF;
	v60, _, _ =	vpop (xrf2)  }
0x108: {  	(v2sf) =	vpush v60, $0xF  }
0x109: {  	(xrf2) =	vadd.scan.msk.f32 $0xffff, v1;
	_ =	sdelay $0x5  }
0x10a: {  	s29 =	spop (v2sf)  }
0x10b: {  	s23 =	spop (v2sf)  }
0x10c: {  	s22 =	ssub.f32 $0.0e+00, s29;
	s24 =	spop (v2sf)  }
0x10d: {  	s23 =	ssub.f32 $0.0e+00, s23;
	s25 =	spop (v2sf)  }
0x10e: {  	s21 =	sadd.s32 $0x1, s21;
	v1 =	vbroadcast v54, $0xF;
	s24 =	ssub.f32 $0.0e+00, s24;
	v61, _, _ =	vpop (xrf2);
	s26 =	spop (v2sf)  }
0x10f: {  	v62 =	vmov s21;
	s25 =	ssub.f32 $0.0e+00, s25;
	v4 =	vbroadcast v61, $0xF;
	s16 =	spop (v2sf)  }
0x110: {  	vm1 =	veq.s32 v62, v0;
	v1 =	vsel vm0, v1, v2;
	s21 =	ssub.f32 $0.0e+00, s16;
	s29 =	spop (v2sf);
	s16 =	sshll.u32 s1, $0x4  }
0x111: {  	v2 =	vsel vm0, s22, v8;
	v1 =	vsel vm1, v4, v1;
	s1 =	sadd.s32 $0x1, s1;
	s22 =	ssub.f32 $0.0e+00, s29;
	s29 =	spop (v2sf)  }
0x112: {  	v63 =	vsel vm0, s23, v7;
	[tilespmem:s16+$0x1C500] =	vst v1;
	p0 =	sne.s32 s1, $0x8;
	v2 =	vsel vm1, s21, v2;
	s21 =	ssub.f32 $0.0e+00, s29;
	s29 =	spop (v2sf)  }
.Ltmp1:
0x113: {  	v1 =	vsel vm0, s24, v6;
	v4 =	vsel vm1, s22, v63;
	[tilespmem:s16+$0x1C580] =	vst v2;
	s24 =	ssub.f32 $0.0e+00, s29;
	(pc) =	sbr.rel @p0 .LBB2_2-.Ltmp1, $4  }
0x114: {  	v2 =	vsel vm0, s25, v5;
	s29 =	ssub.f32 $0.0e+00, s26;
	[tilespmem:s16+$0x1C600] =	vst v4;
	v1 =	vsel vm1, s21, v1  }
0x115: {  	v2 =	vsel vm1, s24, v2;
	[tilespmem:s16+$0x1C680] =	vst v1  }
0x116: {  	v1 =	vsel vm1, s29, v3;
	[tilespmem:s16+$0x1C700] =	vst v2  }
0x117: {  	s31 =	sadd.s32 $0x800, s31;
	s2 =	sadd.s32 $0x800, s2;
	s0 =	sadd.s32 $0x800, s0;
	[tilespmem:s16+$0x1C780] =	vst v1  }
0x118: {  	s30 =	sadd.s32 $0x1, s30  }
0x119: {  	p0 =	sne.s32 s30, s13  }
.Ltmp2:
0x11a: {  	s0 =	simm.s32 $0x1C500;
	(pc) =	sbr.rel @p0 .LBB2_1-.Ltmp2, $4  }
0x11b: {  	[hbm4b:s12+s4] =	stream.linear.scatter [tilespmem:s0], [sflag:$0x2], $0x300, $0x38;
	[tilespmem:$0x1C800] =	vst v63  }
0x11c: {  	_ =	swait.ge [sflag:s14], $0x300  }
0x11d: {  	[sflag:s14] =	ssyncset.done $0x0  }
0x11e: {  	[sflag:s14] =	ssyncadd.s32 $0xFFFFFD00  }
0x11f: {  	_ =	sfence.sel $0x180000  }
0x120: {  	[bflag:$0x0] =	sbarrier.arrive $0xFFFF  }
0x121: {  	_ =	strace $0x90000047  }
0x122: {  	s0 =	stileid.u32;
	[bflag:$0x2] =	sbarrier.arrive $0xFFFF  }
0x123: {  	p0 =	sne.s32 s0, $0x0;
	s0 =	rddreg [dreg:$0x6]  }
0x124: {  	s0 =	sadd.s32 @!p0 $0x100000, s0  }
0x125: {  	[sflag:s0] =	ssyncadd.tile.s32 @!p0 $0x1;
	_ =	shalt  }
.Lfunc_end2:
_tile_overlayer_lowered:
.L_overlay_start_2:
0x126: {  	(tag) =	ssettag $0x2  }
0x127: {  	s0 =	rddreg [dreg:$0x0];
	s2 =	stileid.u32  }
0x128: {  	s1 =	rddreg [dreg:$0x1];
	p0 =	sne.s32 s2, $0x0  }
0x129: {  	s3 =	rddreg [dreg:$0x2];
	[bflag:$0x3] =	sbarrier.arrive $0xFFFF;
	s2 =	simm.s32 @!p0 $0x1C02  }
0x12a: {  	[timem:s3], [sflag:s2] =	dma.local @!p0 [hbm:s0], s1  }
0x12b: {  	s0 =	simm.s32 @!p0 $0x2  }
0x12c: {  	_ =	swait.ge @!p0 [sflag:s0], s1  }
0x12d: {  	s1 =	ssub.s32 @!p0 $0x0, s1;
	[sflag:s0] =	ssyncset.done @!p0 $0x0  }
0x12e: {  	[sflag:s0] =	ssyncadd.s32 @!p0 s1  }
0x12f: {  	[bflag:$0x3] =	sbarrier.arrive $0xFFFF  }
0x130: {  	_ =	shalt  }

</sc_bundles>
